<compile_context>
chip_gen: v7x
topology: tpu7x:2x2x1
jax: 0.10.2.dev20260603
libtpu: 0.0.44.dev20260713+nightly
codegen_flags: <defaults>
</compile_context>

<pallas_src>
import dataclasses
import functools

import jax
import jax.numpy as jnp
from jax import lax
from jax.experimental import pallas as pl
from jax.experimental.pallas import tpu as pltpu
from jax.experimental.pallas import tpu_sc as plsc

N = 10000
D = 128
HID = 100
C = 40
EDGES = 320000

F1 = 112
F2 = 48

NC = 2
NS = 16
NW = NC * NS
CHUNK = 128
CH = 80
PT = CH * CHUNK
EP = NW * PT

BN = 1000



def _mm_bias_kernel(h_ref, w_ref, b_ref, o_ref):
    o_ref[...] = jnp.dot(h_ref[...], w_ref[...],
                         preferred_element_type=jnp.float32,
                         precision=lax.Precision.HIGHEST) + b_ref[...]


def _mm_bias(h, w, b, f_out):
    n, k = h.shape
    return pl.pallas_call(
        _mm_bias_kernel,
        grid=(n // BN,),
        in_specs=[pl.BlockSpec((BN, k), lambda i: (i, 0)),
                  pl.BlockSpec((k, f_out), lambda i: (0, 0)),
                  pl.BlockSpec((1, f_out), lambda i: (0, 0))],
        out_specs=pl.BlockSpec((BN, f_out), lambda i: (i, 0)),
        out_shape=jax.ShapeDtypeStruct((n, f_out), jnp.float32),
    )(h, w, b)


def _relu_mm_bias_kernel(p_ref, w_ref, b_ref, o_ref):
    h1 = jax.nn.relu(p_ref[0] + p_ref[1])
    o_ref[...] = jnp.dot(h1, w_ref[...],
                         preferred_element_type=jnp.float32,
                         precision=lax.Precision.HIGHEST) + b_ref[...]


def _relu_mm_bias(p, w, b, f_in, f_out):
    return pl.pallas_call(
        _relu_mm_bias_kernel,
        grid=(N // BN,),
        in_specs=[pl.BlockSpec((2, BN, f_in), lambda i: (0, i, 0)),
                  pl.BlockSpec((f_in, f_out), lambda i: (0, 0)),
                  pl.BlockSpec((1, f_out), lambda i: (0, 0))],
        out_specs=pl.BlockSpec((BN, f_out), lambda i: (i, 0)),
        out_shape=jax.ShapeDtypeStruct((N, f_out), jnp.float32),
    )(p, w, b)


def _logsoftmax_kernel(q_ref, o_ref):
    x = (q_ref[0] + q_ref[1])[:, :C]
    m = jnp.max(x, axis=1, keepdims=True)
    ex = jnp.exp(x - m)
    lse = jnp.log(jnp.sum(ex, axis=1, keepdims=True))
    o_ref[...] = x - m - lse


def _logsoftmax(q):
    return pl.pallas_call(
        _logsoftmax_kernel,
        grid=(N // BN,),
        in_specs=[pl.BlockSpec((2, BN, F2), lambda i: (0, i, 0))],
        out_specs=pl.BlockSpec((BN, C), lambda i: (i, 0)),
        out_shape=jax.ShapeDtypeStruct((N, C), jnp.float32),
    )(q)



def _propagate(m_tbl, src, dst, e, f):
    nf16 = f // 16
    rz = 624
    tail = N - NS * rz
    mesh = plsc.VectorSubcoreMesh(core_axis_name="c", subcore_axis_name="s")
    cp = pltpu.CompilerParams()
    if "needs_layout_passes" in pltpu.CompilerParams.__dataclass_fields__:
        cp = dataclasses.replace(cp, needs_layout_passes=False)
    if "use_tc_tiling_on_sc" in pltpu.CompilerParams.__dataclass_fields__:
        cp = dataclasses.replace(cp, use_tc_tiling_on_sc=False)

    @functools.partial(
        pl.kernel,
        compiler_params=cp,
        out_type=jax.ShapeDtypeStruct((NC, N, f), jnp.float32),
        mesh=mesh,
        scratch_types=[
            pltpu.VMEM((PT,), jnp.int32),
            pltpu.VMEM((CH, CHUNK), jnp.int32),
            pltpu.VMEM((PT,), jnp.float32),
            pltpu.VMEM((CHUNK, f), jnp.float32),
            pltpu.VMEM((CHUNK, f), jnp.float32),
            pltpu.VMEM_SHARED((N, f), jnp.float32),
            pltpu.SemaphoreType.DMA,
        ],
    )
    def k(m_hbm, src_hbm, dst_hbm, e_hbm, out_hbm,
          src_v, dst_v, e_v, rows_v, zbuf, acc, sem):
        c = lax.axis_index("c")
        s = lax.axis_index("s")
        wid = c * NS + s
        iota = lax.iota(jnp.int32, 16)

        pltpu.sync_copy(src_hbm.at[wid], src_v)
        pltpu.sync_copy(dst_hbm.at[wid], dst_v)
        pltpu.sync_copy(e_hbm.at[wid], e_v)

        z = jnp.zeros((16,), jnp.float32)

        @pl.loop(0, CHUNK)
        def _(i):
            i16 = jnp.full((16,), i, jnp.int32)
            for t in range(nf16):
                plsc.store_scatter(zbuf, [i16, iota + t * 16], z)

        r0 = s * rz
        nfull = rz // CHUNK
        for t in range(nfull):
            pltpu.sync_copy(zbuf, acc.at[pl.ds(r0 + t * CHUNK, CHUNK)])
        rem = rz - nfull * CHUNK
        if rem:
            pltpu.sync_copy(zbuf.at[pl.ds(0, rem)],
                            acc.at[pl.ds(r0 + nfull * CHUNK, rem)])

        @pl.when(s == NS - 1)
        def _():
            pltpu.sync_copy(zbuf.at[pl.ds(0, tail)],
                            acc.at[pl.ds(NS * rz, tail)])

        plsc.subcore_barrier()

        @pl.loop(0, CH)
        def _(j):
            jb = j * CHUNK
            pltpu.async_copy(m_hbm.at[src_v.at[pl.ds(jb, CHUNK)]],
                             rows_v, sem).wait()

            @pl.loop(0, CHUNK)
            def _(i):
                e_b = plsc.load_gather(e_v, [jnp.full((16,), jb + i, jnp.int32)])
                i16 = jnp.full((16,), i, jnp.int32)
                for t in range(nf16):
                    cols = iota + t * 16
                    v = plsc.load_gather(rows_v, [i16, cols])
                    plsc.store_scatter(rows_v, [i16, cols], v * e_b)

            pltpu.sync_copy(rows_v, acc.at[dst_v.at[j]], add=True)

        plsc.subcore_barrier()

        pltpu.sync_copy(acc.at[pl.ds(r0, rz)],
                        out_hbm.at[c].at[pl.ds(r0, rz)])

        @pl.when(s == NS - 1)
        def _():
            pltpu.sync_copy(acc.at[pl.ds(NS * rz, tail)],
                            out_hbm.at[c].at[pl.ds(NS * rz, tail)])

    return k(m_tbl, src, dst, e)



def kernel(H, A, E, W1, b1, W2, b2):
    src = A[0]
    dst = A[1]
    pad = EP - EDGES
    spread = (jnp.arange(pad, dtype=jnp.int32) * 37) % N
    srcp = jnp.concatenate([src, spread]).reshape(NW, PT)
    dstp = jnp.concatenate([dst, spread]).reshape(NW, CH, CHUNK)
    ep = jnp.concatenate([E, jnp.zeros((pad,), jnp.float32)]).reshape(NW, PT)

    w1p = jnp.zeros((D, F1), jnp.float32).at[:, :HID].set(W1)
    b1p = jnp.zeros((1, F1), jnp.float32).at[0, :HID].set(b1)
    w2p = jnp.zeros((F1, F2), jnp.float32).at[:HID, :C].set(W2)
    b2p = jnp.zeros((1, F2), jnp.float32).at[0, :C].set(b2)

    m1 = _mm_bias(H, w1p, b1p, F1)
    p = _propagate(m1, srcp, dstp, ep, F1)
    m2 = _relu_mm_bias(p, w2p, b2p, F1, F2)
    q = _propagate(m2, srcp, dstp, ep, F2)
    return _logsoftmax(q)

# --- scband reference (transcript-rebuilt; emitter-appended) ---
"""Pipeline reference for scband-gcn-net-30520037605943 (READ-ONLY COPY).

The authoritative reference and input builder live on the scoring server;
editing this copy changes nothing except your own understanding.
"""

import jax, jax.numpy as jnp
import numpy as np

N = 10000
D = 128
HID = 100
C = 40
EDGES = 320000


def setup_inputs(seed: int = 0) -> dict:
    key = jax.random.key(seed)
    ks = jax.random.split(key, 8)
    H = jax.random.normal(ks[0], (N, D), dtype=jnp.float32)
    A = jax.random.randint(ks[1], (2, EDGES), 0, N, dtype=jnp.int32)
    E = jax.random.uniform(ks[2], (EDGES,), dtype=jnp.float32)
    W1 = jax.random.normal(ks[3], (D, HID), dtype=jnp.float32) * 0.05
    b1 = jnp.zeros((HID,), dtype=jnp.float32)
    W2 = jax.random.normal(ks[4], (HID, C), dtype=jnp.float32) * 0.05
    b2 = jnp.zeros((C,), dtype=jnp.float32)
    return {"H": H, "A": A, "E": E, "W1": W1, "b1": b1, "W2": W2, "b2": b2}


def _gcn_layer(H, A, E, W, b):
    # Linear transform, then edge-weighted message passing (gather src -> scatter-add dst)
    msg_all = H @ W + b
    src = A[0]
    dst = A[1]
    msg = msg_all[src] * E[:, None]
    return jax.ops.segment_sum(msg, dst, num_segments=N)


def reference(H, A, E, W1, b1, W2, b2):
    H1 = jax.nn.relu(_gcn_layer(H, A, E, W1, b1))
    # F.dropout(H, 0.5): treated as identity (eval mode) for deterministic reference
    H2 = _gcn_layer(H1, A, E, W2, b2)
    return jax.nn.log_softmax(H2, axis=1)

if __name__ == "__main__":
    import jax
    _d = setup_inputs()
    print(jax.jit(kernel)(*tuple(_d.values())))

</pallas_src>

<mosaic_0001>
#map = affine_map<(d0, d1) -> (0, 0)>
#map1 = affine_map<(d0, d1) -> (0, 0, 0)>
module attributes {stable_mosaic.version = 14 : i64} {
  func.func @k(%arg0: i32, %arg1: i32, %arg2: memref<10000x112xf32, #tpu.memory_space<hbm>>, %arg3: memref<32x10240xi32, #tpu.memory_space<hbm>>, %arg4: memref<32x80x128xi32, #tpu.memory_space<hbm>>, %arg5: memref<32x10240xf32, #tpu.memory_space<hbm>>, %arg6: memref<2x10000x112xf32, #tpu.memory_space<hbm>>, %arg7: memref<10240xi32, #tpu.memory_space<vmem>>, %arg8: memref<80x128xi32, #tpu.memory_space<vmem>>, %arg9: memref<10240xf32, #tpu.memory_space<vmem>>, %arg10: memref<128x112xf32, #tpu.memory_space<vmem>>, %arg11: memref<128x112xf32, #tpu.memory_space<vmem>>, %arg12: memref<10000x112xf32, #tpu.memory_space<vmem_shared>>, %arg13: memref<!tpu.dma_semaphore, #tpu.memory_space<semaphore_mem>>) attributes {dimension_semantics = [#tpu.dimension_semantics<core_parallel>, #tpu.dimension_semantics<subcore_parallel>], iteration_bounds = array<i64: 2, 16>, scalar_prefetch = 0 : i64, scratch_operands = 7 : i64, tpu.core_type = #tpu.core_type<sc_vector_subcore>, window_params = [{transform_indices = #map}, {transform_indices = #map}, {transform_indices = #map1}, {transform_indices = #map}, {transform_indices = #map1}]} {
    %mul3A = arith.constant 16 : i32
    %mul3A_0 = arith.muli %arg0, %mul3A : i32
    %add3A = arith.addi %mul3A_0, %arg1 : i32
    %iota3A = tpu.iota {dimensions = array<i32: 0>} : vector<16xi32>
    "tpu.region"() ({
      %run_scoped3A = tpu.sem_alloc : memref<!tpu.dma_semaphore, #tpu.memory_space<semaphore_mem>>
      %dma_start3A = arith.constant 0 : i32
      %dma_start3A_31 = tpu.memref_slice %arg3[%add3A, %dma_start3A] : memref<32x10240xi32, #tpu.memory_space<hbm>> -> memref<1x10240xi32, #tpu.memory_space<hbm>>
      %dma_start3A_32 = tpu.memref_squeeze %dma_start3A_31 : memref<1x10240xi32, #tpu.memory_space<hbm>> -> memref<10240xi32, #tpu.memory_space<hbm>>
      %dma_start3A_33 = arith.constant 0 : i32
      %dma_start3A_34 = tpu.memref_slice %arg3[%add3A, %dma_start3A_33] : memref<32x10240xi32, #tpu.memory_space<hbm>> -> memref<1x10240xi32, #tpu.memory_space<hbm>>
      %dma_start3A_35 = tpu.memref_squeeze %dma_start3A_34 : memref<1x10240xi32, #tpu.memory_space<hbm>> -> memref<10240xi32, #tpu.memory_space<hbm>>
      tpu.enqueue_dma source(%dma_start3A_35 : memref<10240xi32, #tpu.memory_space<hbm>>) target(%arg7 : memref<10240xi32, #tpu.memory_space<vmem>>) target_semaphore(%run_scoped3A : memref<!tpu.dma_semaphore, #tpu.memory_space<semaphore_mem>>)
      %dma_wait3A = arith.constant 0 : i32
      %dma_wait3A_36 = tpu.memref_slice %arg3[%add3A, %dma_wait3A] : memref<32x10240xi32, #tpu.memory_space<hbm>> -> memref<1x10240xi32, #tpu.memory_space<hbm>>
      %dma_wait3A_37 = tpu.memref_squeeze %dma_wait3A_36 : memref<1x10240xi32, #tpu.memory_space<hbm>> -> memref<10240xi32, #tpu.memory_space<hbm>>
      %dma_wait3A_38 = arith.constant 0 : i32
      %dma_wait3A_39 = tpu.memref_slice %arg3[%add3A, %dma_wait3A_38] : memref<32x10240xi32, #tpu.memory_space<hbm>> -> memref<1x10240xi32, #tpu.memory_space<hbm>>
      %dma_wait3A_40 = tpu.memref_squeeze %dma_wait3A_39 : memref<1x10240xi32, #tpu.memory_space<hbm>> -> memref<10240xi32, #tpu.memory_space<hbm>>
      tpu.wait_dma2 semaphore(%run_scoped3A : memref<!tpu.dma_semaphore, #tpu.memory_space<semaphore_mem>>) src(%dma_wait3A_40 : memref<10240xi32, #tpu.memory_space<hbm>>) dst(%arg7 : memref<10240xi32, #tpu.memory_space<vmem>>)
      tpu.yield
    }) : () -> ()
    "tpu.region"() ({
      %run_scoped3A = tpu.sem_alloc : memref<!tpu.dma_semaphore, #tpu.memory_space<semaphore_mem>>
      %dma_start3A = arith.constant 0 : i32
      %dma_start3A_31 = arith.constant 0 : i32
      %dma_start3A_32 = tpu.memref_slice %arg4[%add3A, %dma_start3A, %dma_start3A_31] : memref<32x80x128xi32, #tpu.memory_space<hbm>> -> memref<1x80x128xi32, #tpu.memory_space<hbm>>
      %dma_start3A_33 = tpu.memref_squeeze %dma_start3A_32 : memref<1x80x128xi32, #tpu.memory_space<hbm>> -> memref<80x128xi32, #tpu.memory_space<hbm>>
      %dma_start3A_34 = arith.constant 0 : i32
      %dma_start3A_35 = arith.constant 0 : i32
      %dma_start3A_36 = tpu.memref_slice %arg4[%add3A, %dma_start3A_34, %dma_start3A_35] : memref<32x80x128xi32, #tpu.memory_space<hbm>> -> memref<1x80x128xi32, #tpu.memory_space<hbm>>
      %dma_start3A_37 = tpu.memref_squeeze %dma_start3A_36 : memref<1x80x128xi32, #tpu.memory_space<hbm>> -> memref<80x128xi32, #tpu.memory_space<hbm>>
      tpu.enqueue_dma source(%dma_start3A_37 : memref<80x128xi32, #tpu.memory_space<hbm>>) target(%arg8 : memref<80x128xi32, #tpu.memory_space<vmem>>) target_semaphore(%run_scoped3A : memref<!tpu.dma_semaphore, #tpu.memory_space<semaphore_mem>>)
      %dma_wait3A = arith.constant 0 : i32
      %dma_wait3A_38 = arith.constant 0 : i32
      %dma_wait3A_39 = tpu.memref_slice %arg4[%add3A, %dma_wait3A, %dma_wait3A_38] : memref<32x80x128xi32, #tpu.memory_space<hbm>> -> memref<1x80x128xi32, #tpu.memory_space<hbm>>
      %dma_wait3A_40 = tpu.memref_squeeze %dma_wait3A_39 : memref<1x80x128xi32, #tpu.memory_space<hbm>> -> memref<80x128xi32, #tpu.memory_space<hbm>>
      %dma_wait3A_41 = arith.constant 0 : i32
      %dma_wait3A_42 = arith.constant 0 : i32
      %dma_wait3A_43 = tpu.memref_slice %arg4[%add3A, %dma_wait3A_41, %dma_wait3A_42] : memref<32x80x128xi32, #tpu.memory_space<hbm>> -> memref<1x80x128xi32, #tpu.memory_space<hbm>>
      %dma_wait3A_44 = tpu.memref_squeeze %dma_wait3A_43 : memref<1x80x128xi32, #tpu.memory_space<hbm>> -> memref<80x128xi32, #tpu.memory_space<hbm>>
      tpu.wait_dma2 semaphore(%run_scoped3A : memref<!tpu.dma_semaphore, #tpu.memory_space<semaphore_mem>>) src(%dma_wait3A_44 : memref<80x128xi32, #tpu.memory_space<hbm>>) dst(%arg8 : memref<80x128xi32, #tpu.memory_space<vmem>>)
      tpu.yield
    }) : () -> ()
    "tpu.region"() ({
      %run_scoped3A = tpu.sem_alloc : memref<!tpu.dma_semaphore, #tpu.memory_space<semaphore_mem>>
      %dma_start3A = arith.constant 0 : i32
      %dma_start3A_31 = tpu.memref_slice %arg5[%add3A, %dma_start3A] : memref<32x10240xf32, #tpu.memory_space<hbm>> -> memref<1x10240xf32, #tpu.memory_space<hbm>>
      %dma_start3A_32 = tpu.memref_squeeze %dma_start3A_31 : memref<1x10240xf32, #tpu.memory_space<hbm>> -> memref<10240xf32, #tpu.memory_space<hbm>>
      %dma_start3A_33 = arith.constant 0 : i32
      %dma_start3A_34 = tpu.memref_slice %arg5[%add3A, %dma_start3A_33] : memref<32x10240xf32, #tpu.memory_space<hbm>> -> memref<1x10240xf32, #tpu.memory_space<hbm>>
      %dma_start3A_35 = tpu.memref_squeeze %dma_start3A_34 : memref<1x10240xf32, #tpu.memory_space<hbm>> -> memref<10240xf32, #tpu.memory_space<hbm>>
      tpu.enqueue_dma source(%dma_start3A_35 : memref<10240xf32, #tpu.memory_space<hbm>>) target(%arg9 : memref<10240xf32, #tpu.memory_space<vmem>>) target_semaphore(%run_scoped3A : memref<!tpu.dma_semaphore, #tpu.memory_space<semaphore_mem>>)
      %dma_wait3A = arith.constant 0 : i32
      %dma_wait3A_36 = tpu.memref_slice %arg5[%add3A, %dma_wait3A] : memref<32x10240xf32, #tpu.memory_space<hbm>> -> memref<1x10240xf32, #tpu.memory_space<hbm>>
      %dma_wait3A_37 = tpu.memref_squeeze %dma_wait3A_36 : memref<1x10240xf32, #tpu.memory_space<hbm>> -> memref<10240xf32, #tpu.memory_space<hbm>>
      %dma_wait3A_38 = arith.constant 0 : i32
      %dma_wait3A_39 = tpu.memref_slice %arg5[%add3A, %dma_wait3A_38] : memref<32x10240xf32, #tpu.memory_space<hbm>> -> memref<1x10240xf32, #tpu.memory_space<hbm>>
      %dma_wait3A_40 = tpu.memref_squeeze %dma_wait3A_39 : memref<1x10240xf32, #tpu.memory_space<hbm>> -> memref<10240xf32, #tpu.memory_space<hbm>>
      tpu.wait_dma2 semaphore(%run_scoped3A : memref<!tpu.dma_semaphore, #tpu.memory_space<semaphore_mem>>) src(%dma_wait3A_40 : memref<10240xf32, #tpu.memory_space<hbm>>) dst(%arg9 : memref<10240xf32, #tpu.memory_space<vmem>>)
      tpu.yield
    }) : () -> ()
    %broadcast_in_dim3A = arith.constant 0.000000e+00 : f32
    %broadcast_in_dim3A_1 = vector.broadcast %broadcast_in_dim3A : f32 to vector<16xf32>
    %scan3A = arith.constant 0 : i32
    %scan3A_2 = arith.constant 128 : i32
    %scan3A_3 = arith.addi %scan3A, %scan3A_2 : i32
    %scan3A_4 = arith.constant 1 : i32
    scf.for %scan3A_31 = %scan3A to %scan3A_3 step %scan3A_4  : i32 {
      %mul3A_32 = arith.constant 1 : i32
      %mul3A_33 = arith.muli %scan3A_31, %mul3A_32 : i32
      %add3A_34 = arith.constant 0 : i32
      %add3A_35 = arith.addi %add3A_34, %mul3A_33 : i32
      %broadcast_in_dim3A_36 = vector.broadcast %add3A_35 : i32 to vector<16xi32>
      %add3A_37 = arith.constant 0 : i32
      %add3A_38 = vector.broadcast %add3A_37 : i32 to vector<16xi32>
      %add3A_39 = arith.addi %iota3A, %add3A_38 : vector<16xi32>
      tpu.vector_store_idx %arg11[%broadcast_in_dim3A_36, %add3A_39], %broadcast_in_dim3A_1 : memref<128x112xf32, #tpu.memory_space<vmem>>[vector<16xi32>, vector<16xi32>], vector<16xf32>,
      %add3A_40 = arith.constant 16 : i32
      %add3A_41 = vector.broadcast %add3A_40 : i32 to vector<16xi32>
      %add3A_42 = arith.addi %iota3A, %add3A_41 : vector<16xi32>
      tpu.vector_store_idx %arg11[%broadcast_in_dim3A_36, %add3A_42], %broadcast_in_dim3A_1 : memref<128x112xf32, #tpu.memory_space<vmem>>[vector<16xi32>, vector<16xi32>], vector<16xf32>,
      %add3A_43 = arith.constant 32 : i32
      %add3A_44 = vector.broadcast %add3A_43 : i32 to vector<16xi32>
      %add3A_45 = arith.addi %iota3A, %add3A_44 : vector<16xi32>
      tpu.vector_store_idx %arg11[%broadcast_in_dim3A_36, %add3A_45], %broadcast_in_dim3A_1 : memref<128x112xf32, #tpu.memory_space<vmem>>[vector<16xi32>, vector<16xi32>], vector<16xf32>,
      %add3A_46 = arith.constant 48 : i32
      %add3A_47 = vector.broadcast %add3A_46 : i32 to vector<16xi32>
      %add3A_48 = arith.addi %iota3A, %add3A_47 : vector<16xi32>
      tpu.vector_store_idx %arg11[%broadcast_in_dim3A_36, %add3A_48], %broadcast_in_dim3A_1 : memref<128x112xf32, #tpu.memory_space<vmem>>[vector<16xi32>, vector<16xi32>], vector<16xf32>,
      %add3A_49 = arith.constant 64 : i32
      %add3A_50 = vector.broadcast %add3A_49 : i32 to vector<16xi32>
      %add3A_51 = arith.addi %iota3A, %add3A_50 : vector<16xi32>
      tpu.vector_store_idx %arg11[%broadcast_in_dim3A_36, %add3A_51], %broadcast_in_dim3A_1 : memref<128x112xf32, #tpu.memory_space<vmem>>[vector<16xi32>, vector<16xi32>], vector<16xf32>,
      %add3A_52 = arith.constant 80 : i32
      %add3A_53 = vector.broadcast %add3A_52 : i32 to vector<16xi32>
      %add3A_54 = arith.addi %iota3A, %add3A_53 : vector<16xi32>
      tpu.vector_store_idx %arg11[%broadcast_in_dim3A_36, %add3A_54], %broadcast_in_dim3A_1 : memref<128x112xf32, #tpu.memory_space<vmem>>[vector<16xi32>, vector<16xi32>], vector<16xf32>,
      %add3A_55 = arith.constant 96 : i32
      %add3A_56 = vector.broadcast %add3A_55 : i32 to vector<16xi32>
      %add3A_57 = arith.addi %iota3A, %add3A_56 : vector<16xi32>
      tpu.vector_store_idx %arg11[%broadcast_in_dim3A_36, %add3A_57], %broadcast_in_dim3A_1 : memref<128x112xf32, #tpu.memory_space<vmem>>[vector<16xi32>, vector<16xi32>], vector<16xf32>,
    }
    %scan3A_5 = arith.constant 128 : i32
    %mul3A_6 = arith.constant 624 : i32
    %mul3A_7 = arith.muli %arg1, %mul3A_6 : i32
    %add3A_8 = arith.constant 0 : i32
    %add3A_9 = arith.addi %mul3A_7, %add3A_8 : i32
    "tpu.region"() ({
      %run_scoped3A = tpu.sem_alloc : memref<!tpu.dma_semaphore, #tpu.memory_space<semaphore_mem>>
      %dma_start3A = arith.constant 0 : i32
      %dma_start3A_31 = tpu.memref_slice %arg12[%add3A_9, %dma_start3A] : memref<10000x112xf32, #tpu.memory_space<vmem_shared>> -> memref<128x112xf32, #tpu.memory_space<vmem_shared>>
      %dma_start3A_32 = arith.constant 0 : i32
      %dma_start3A_33 = tpu.memref_slice %arg12[%add3A_9, %dma_start3A_32] : memref<10000x112xf32, #tpu.memory_space<vmem_shared>> -> memref<128x112xf32, #tpu.memory_space<vmem_shared>>
      tpu.enqueue_dma source(%arg11 : memref<128x112xf32, #tpu.memory_space<vmem>>) target(%dma_start3A_33 : memref<128x112xf32, #tpu.memory_space<vmem_shared>>) target_semaphore(%run_scoped3A : memref<!tpu.dma_semaphore, #tpu.memory_space<semaphore_mem>>)
      %dma_wait3A = arith.constant 0 : i32
      %dma_wait3A_34 = tpu.memref_slice %arg12[%add3A_9, %dma_wait3A] : memref<10000x112xf32, #tpu.memory_space<vmem_shared>> -> memref<128x112xf32, #tpu.memory_space<vmem_shared>>
      %dma_wait3A_35 = arith.constant 0 : i32
      %dma_wait3A_36 = tpu.memref_slice %arg12[%add3A_9, %dma_wait3A_35] : memref<10000x112xf32, #tpu.memory_space<vmem_shared>> -> memref<128x112xf32, #tpu.memory_space<vmem_shared>>
      tpu.wait_dma2 semaphore(%run_scoped3A : memref<!tpu.dma_semaphore, #tpu.memory_space<semaphore_mem>>) src(%arg11 : memref<128x112xf32, #tpu.memory_space<vmem>>) dst(%dma_wait3A_36 : memref<128x112xf32, #tpu.memory_space<vmem_shared>>)
      tpu.yield
    }) : () -> ()
    %add3A_10 = arith.constant 128 : i32
    %add3A_11 = arith.addi %mul3A_7, %add3A_10 : i32
    "tpu.region"() ({
      %run_scoped3A = tpu.sem_alloc : memref<!tpu.dma_semaphore, #tpu.memory_space<semaphore_mem>>
      %dma_start3A = arith.constant 0 : i32
      %dma_start3A_31 = tpu.memref_slice %arg12[%add3A_11, %dma_start3A] : memref<10000x112xf32, #tpu.memory_space<vmem_shared>> -> memref<128x112xf32, #tpu.memory_space<vmem_shared>>
      %dma_start3A_32 = arith.constant 0 : i32
      %dma_start3A_33 = tpu.memref_slice %arg12[%add3A_11, %dma_start3A_32] : memref<10000x112xf32, #tpu.memory_space<vmem_shared>> -> memref<128x112xf32, #tpu.memory_space<vmem_shared>>
      tpu.enqueue_dma source(%arg11 : memref<128x112xf32, #tpu.memory_space<vmem>>) target(%dma_start3A_33 : memref<128x112xf32, #tpu.memory_space<vmem_shared>>) target_semaphore(%run_scoped3A : memref<!tpu.dma_semaphore, #tpu.memory_space<semaphore_mem>>)
      %dma_wait3A = arith.constant 0 : i32
      %dma_wait3A_34 = tpu.memref_slice %arg12[%add3A_11, %dma_wait3A] : memref<10000x112xf32, #tpu.memory_space<vmem_shared>> -> memref<128x112xf32, #tpu.memory_space<vmem_shared>>
      %dma_wait3A_35 = arith.constant 0 : i32
      %dma_wait3A_36 = tpu.memref_slice %arg12[%add3A_11, %dma_wait3A_35] : memref<10000x112xf32, #tpu.memory_space<vmem_shared>> -> memref<128x112xf32, #tpu.memory_space<vmem_shared>>
      tpu.wait_dma2 semaphore(%run_scoped3A : memref<!tpu.dma_semaphore, #tpu.memory_space<semaphore_mem>>) src(%arg11 : memref<128x112xf32, #tpu.memory_space<vmem>>) dst(%dma_wait3A_36 : memref<128x112xf32, #tpu.memory_space<vmem_shared>>)
      tpu.yield
    }) : () -> ()
    %add3A_12 = arith.constant 256 : i32
    %add3A_13 = arith.addi %mul3A_7, %add3A_12 : i32
    "tpu.region"() ({
      %run_scoped3A = tpu.sem_alloc : memref<!tpu.dma_semaphore, #tpu.memory_space<semaphore_mem>>
      %dma_start3A = arith.constant 0 : i32
      %dma_start3A_31 = tpu.memref_slice %arg12[%add3A_13, %dma_start3A] : memref<10000x112xf32, #tpu.memory_space<vmem_shared>> -> memref<128x112xf32, #tpu.memory_space<vmem_shared>>
      %dma_start3A_32 = arith.constant 0 : i32
      %dma_start3A_33 = tpu.memref_slice %arg12[%add3A_13, %dma_start3A_32] : memref<10000x112xf32, #tpu.memory_space<vmem_shared>> -> memref<128x112xf32, #tpu.memory_space<vmem_shared>>
      tpu.enqueue_dma source(%arg11 : memref<128x112xf32, #tpu.memory_space<vmem>>) target(%dma_start3A_33 : memref<128x112xf32, #tpu.memory_space<vmem_shared>>) target_semaphore(%run_scoped3A : memref<!tpu.dma_semaphore, #tpu.memory_space<semaphore_mem>>)
      %dma_wait3A = arith.constant 0 : i32
      %dma_wait3A_34 = tpu.memref_slice %arg12[%add3A_13, %dma_wait3A] : memref<10000x112xf32, #tpu.memory_space<vmem_shared>> -> memref<128x112xf32, #tpu.memory_space<vmem_shared>>
      %dma_wait3A_35 = arith.constant 0 : i32
      %dma_wait3A_36 = tpu.memref_slice %arg12[%add3A_13, %dma_wait3A_35] : memref<10000x112xf32, #tpu.memory_space<vmem_shared>> -> memref<128x112xf32, #tpu.memory_space<vmem_shared>>
      tpu.wait_dma2 semaphore(%run_scoped3A : memref<!tpu.dma_semaphore, #tpu.memory_space<semaphore_mem>>) src(%arg11 : memref<128x112xf32, #tpu.memory_space<vmem>>) dst(%dma_wait3A_36 : memref<128x112xf32, #tpu.memory_space<vmem_shared>>)
      tpu.yield
    }) : () -> ()
    %add3A_14 = arith.constant 384 : i32
    %add3A_15 = arith.addi %mul3A_7, %add3A_14 : i32
    "tpu.region"() ({
      %run_scoped3A = tpu.sem_alloc : memref<!tpu.dma_semaphore, #tpu.memory_space<semaphore_mem>>
      %dma_start3A = arith.constant 0 : i32
      %dma_start3A_31 = tpu.memref_slice %arg12[%add3A_15, %dma_start3A] : memref<10000x112xf32, #tpu.memory_space<vmem_shared>> -> memref<128x112xf32, #tpu.memory_space<vmem_shared>>
      %dma_start3A_32 = arith.constant 0 : i32
      %dma_start3A_33 = tpu.memref_slice %arg12[%add3A_15, %dma_start3A_32] : memref<10000x112xf32, #tpu.memory_space<vmem_shared>> -> memref<128x112xf32, #tpu.memory_space<vmem_shared>>
      tpu.enqueue_dma source(%arg11 : memref<128x112xf32, #tpu.memory_space<vmem>>) target(%dma_start3A_33 : memref<128x112xf32, #tpu.memory_space<vmem_shared>>) target_semaphore(%run_scoped3A : memref<!tpu.dma_semaphore, #tpu.memory_space<semaphore_mem>>)
      %dma_wait3A = arith.constant 0 : i32
      %dma_wait3A_34 = tpu.memref_slice %arg12[%add3A_15, %dma_wait3A] : memref<10000x112xf32, #tpu.memory_space<vmem_shared>> -> memref<128x112xf32, #tpu.memory_space<vmem_shared>>
      %dma_wait3A_35 = arith.constant 0 : i32
      %dma_wait3A_36 = tpu.memref_slice %arg12[%add3A_15, %dma_wait3A_35] : memref<10000x112xf32, #tpu.memory_space<vmem_shared>> -> memref<128x112xf32, #tpu.memory_space<vmem_shared>>
      tpu.wait_dma2 semaphore(%run_scoped3A : memref<!tpu.dma_semaphore, #tpu.memory_space<semaphore_mem>>) src(%arg11 : memref<128x112xf32, #tpu.memory_space<vmem>>) dst(%dma_wait3A_36 : memref<128x112xf32, #tpu.memory_space<vmem_shared>>)
      tpu.yield
    }) : () -> ()
    %add3A_16 = arith.constant 512 : i32
    %add3A_17 = arith.addi %mul3A_7, %add3A_16 : i32
    "tpu.region"() ({
      %run_scoped3A = tpu.sem_alloc : memref<!tpu.dma_semaphore, #tpu.memory_space<semaphore_mem>>
      %dma_start3A = arith.constant 0 : i32
      %dma_start3A_31 = arith.constant 0 : i32
      %dma_start3A_32 = tpu.memref_slice %arg11[%dma_start3A, %dma_start3A_31] : memref<128x112xf32, #tpu.memory_space<vmem>> -> memref<112x112xf32, #tpu.memory_space<vmem>>
      %dma_start3A_33 = arith.constant 0 : i32
      %dma_start3A_34 = tpu.memref_slice %arg12[%add3A_17, %dma_start3A_33] : memref<10000x112xf32, #tpu.memory_space<vmem_shared>> -> memref<112x112xf32, #tpu.memory_space<vmem_shared>>
      %dma_start3A_35 = arith.constant 0 : i32
      %dma_start3A_36 = tpu.memref_slice %arg12[%add3A_17, %dma_start3A_35] : memref<10000x112xf32, #tpu.memory_space<vmem_shared>> -> memref<112x112xf32, #tpu.memory_space<vmem_shared>>
      %dma_start3A_37 = arith.constant 0 : i32
      %dma_start3A_38 = arith.constant 0 : i32
      %dma_start3A_39 = tpu.memref_slice %arg11[%dma_start3A_37, %dma_start3A_38] : memref<128x112xf32, #tpu.memory_space<vmem>> -> memref<112x112xf32, #tpu.memory_space<vmem>>
      tpu.enqueue_dma source(%dma_start3A_39 : memref<112x112xf32, #tpu.memory_space<vmem>>) target(%dma_start3A_36 : memref<112x112xf32, #tpu.memory_space<vmem_shared>>) target_semaphore(%run_scoped3A : memref<!tpu.dma_semaphore, #tpu.memory_space<semaphore_mem>>)
      %dma_wait3A = arith.constant 0 : i32
      %dma_wait3A_40 = arith.constant 0 : i32
      %dma_wait3A_41 = tpu.memref_slice %arg11[%dma_wait3A, %dma_wait3A_40] : memref<128x112xf32, #tpu.memory_space<vmem>> -> memref<112x112xf32, #tpu.memory_space<vmem>>
      %dma_wait3A_42 = arith.constant 0 : i32
      %dma_wait3A_43 = tpu.memref_slice %arg12[%add3A_17, %dma_wait3A_42] : memref<10000x112xf32, #tpu.memory_space<vmem_shared>> -> memref<112x112xf32, #tpu.memory_space<vmem_shared>>
      %dma_wait3A_44 = arith.constant 0 : i32
      %dma_wait3A_45 = tpu.memref_slice %arg12[%add3A_17, %dma_wait3A_44] : memref<10000x112xf32, #tpu.memory_space<vmem_shared>> -> memref<112x112xf32, #tpu.memory_space<vmem_shared>>
      %dma_wait3A_46 = arith.constant 0 : i32
      %dma_wait3A_47 = arith.constant 0 : i32
      %dma_wait3A_48 = tpu.memref_slice %arg11[%dma_wait3A_46, %dma_wait3A_47] : memref<128x112xf32, #tpu.memory_space<vmem>> -> memref<112x112xf32, #tpu.memory_space<vmem>>
      tpu.wait_dma2 semaphore(%run_scoped3A : memref<!tpu.dma_semaphore, #tpu.memory_space<semaphore_mem>>) src(%dma_wait3A_48 : memref<112x112xf32, #tpu.memory_space<vmem>>) dst(%dma_wait3A_45 : memref<112x112xf32, #tpu.memory_space<vmem_shared>>)
      tpu.yield
    }) : () -> ()
    %eq3A = arith.constant 15 : i32
    %eq3A_18 = arith.cmpi eq, %arg1, %eq3A : i32
    %convert_element_type3A = arith.extui %eq3A_18 : i1 to i32
    %cond3A = arith.constant 0 : i32
    %cond3A_19 = arith.cmpi ne, %convert_element_type3A, %cond3A : i32
    scf.if %cond3A_19 {
      "tpu.region"() ({
        %run_scoped3A = tpu.sem_alloc : memref<!tpu.dma_semaphore, #tpu.memory_space<semaphore_mem>>
        %dma_start3A = arith.constant 0 : i32
        %dma_start3A_31 = arith.constant 0 : i32
        %dma_start3A_32 = tpu.memref_slice %arg11[%dma_start3A, %dma_start3A_31] : memref<128x112xf32, #tpu.memory_space<vmem>> -> memref<16x112xf32, #tpu.memory_space<vmem>>
        %dma_start3A_33 = arith.constant 9984 : i32
        %dma_start3A_34 = arith.constant 0 : i32
        %dma_start3A_35 = tpu.memref_slice %arg12[%dma_start3A_33, %dma_start3A_34] : memref<10000x112xf32, #tpu.memory_space<vmem_shared>> -> memref<16x112xf32, #tpu.memory_space<vmem_shared>>
        %dma_start3A_36 = arith.constant 9984 : i32
        %dma_start3A_37 = arith.constant 0 : i32
        %dma_start3A_38 = tpu.memref_slice %arg12[%dma_start3A_36, %dma_start3A_37] : memref<10000x112xf32, #tpu.memory_space<vmem_shared>> -> memref<16x112xf32, #tpu.memory_space<vmem_shared>>
        %dma_start3A_39 = arith.constant 0 : i32
        %dma_start3A_40 = arith.constant 0 : i32
        %dma_start3A_41 = tpu.memref_slice %arg11[%dma_start3A_39, %dma_start3A_40] : memref<128x112xf32, #tpu.memory_space<vmem>> -> memref<16x112xf32, #tpu.memory_space<vmem>>
        tpu.enqueue_dma source(%dma_start3A_41 : memref<16x112xf32, #tpu.memory_space<vmem>>) target(%dma_start3A_38 : memref<16x112xf32, #tpu.memory_space<vmem_shared>>) target_semaphore(%run_scoped3A : memref<!tpu.dma_semaphore, #tpu.memory_space<semaphore_mem>>)
        %dma_wait3A = arith.constant 0 : i32
        %dma_wait3A_42 = arith.constant 0 : i32
        %dma_wait3A_43 = tpu.memref_slice %arg11[%dma_wait3A, %dma_wait3A_42] : memref<128x112xf32, #tpu.memory_space<vmem>> -> memref<16x112xf32, #tpu.memory_space<vmem>>
        %dma_wait3A_44 = arith.constant 9984 : i32
        %dma_wait3A_45 = arith.constant 0 : i32
        %dma_wait3A_46 = tpu.memref_slice %arg12[%dma_wait3A_44, %dma_wait3A_45] : memref<10000x112xf32, #tpu.memory_space<vmem_shared>> -> memref<16x112xf32, #tpu.memory_space<vmem_shared>>
        %dma_wait3A_47 = arith.constant 9984 : i32
        %dma_wait3A_48 = arith.constant 0 : i32
        %dma_wait3A_49 = tpu.memref_slice %arg12[%dma_wait3A_47, %dma_wait3A_48] : memref<10000x112xf32, #tpu.memory_space<vmem_shared>> -> memref<16x112xf32, #tpu.memory_space<vmem_shared>>
        %dma_wait3A_50 = arith.constant 0 : i32
        %dma_wait3A_51 = arith.constant 0 : i32
        %dma_wait3A_52 = tpu.memref_slice %arg11[%dma_wait3A_50, %dma_wait3A_51] : memref<128x112xf32, #tpu.memory_space<vmem>> -> memref<16x112xf32, #tpu.memory_space<vmem>>
        tpu.wait_dma2 semaphore(%run_scoped3A : memref<!tpu.dma_semaphore, #tpu.memory_space<semaphore_mem>>) src(%dma_wait3A_52 : memref<16x112xf32, #tpu.memory_space<vmem>>) dst(%dma_wait3A_49 : memref<16x112xf32, #tpu.memory_space<vmem_shared>>)
        tpu.yield
      }) : () -> ()
    } else {
    }
    %barrier3A = arith.constant 0 : index
    tpu.barrier barrier_id(%barrier3A)
    %scan3A_20 = arith.constant 0 : i32
    %scan3A_21 = arith.constant 80 : i32
    %scan3A_22 = arith.addi %scan3A_20, %scan3A_21 : i32
    %scan3A_23 = arith.constant 1 : i32
    scf.for %scan3A_31 = %scan3A_20 to %scan3A_22 step %scan3A_23  : i32 {
      %mul3A_32 = arith.constant 1 : i32
      %mul3A_33 = arith.muli %scan3A_31, %mul3A_32 : i32
      %add3A_34 = arith.constant 0 : i32
      %add3A_35 = arith.addi %add3A_34, %mul3A_33 : i32
      %mul3A_36 = arith.constant 128 : i32
      %mul3A_37 = arith.muli %add3A_35, %mul3A_36 : i32
      %dma_start3A = tpu.memref_slice %arg7[%mul3A_37] : memref<10240xi32, #tpu.memory_space<vmem>> -> memref<128xi32, #tpu.memory_space<vmem>>
      %dma_start3A_38 = arith.constant 0 : i32
      %dma_start3A_39 = arith.constant 0 : i32
      %dma_start3A_40 = tpu.memref_slice %arg2[%dma_start3A_38, %dma_start3A_39] : memref<10000x112xf32, #tpu.memory_space<hbm>> -> memref<10000x112xf32, #tpu.memory_space<hbm>>
      tpu.enqueue_indirect_dma source(%dma_start3A_40 : memref<10000x112xf32, #tpu.memory_space<hbm>>) target(%arg10 : memref<128x112xf32, #tpu.memory_space<vmem>>) offsets(%dma_start3A : memref<128xi32, #tpu.memory_space<vmem>>) semaphore(%arg13 : memref<!tpu.dma_semaphore, #tpu.memory_space<semaphore_mem>>)
      %dma_wait3A = tpu.memref_slice %arg7[%mul3A_37] : memref<10240xi32, #tpu.memory_space<vmem>> -> memref<128xi32, #tpu.memory_space<vmem>>
      %dma_wait3A_41 = arith.constant 0 : i32
      %dma_wait3A_42 = arith.constant 0 : i32
      %dma_wait3A_43 = tpu.memref_slice %arg2[%dma_wait3A_41, %dma_wait3A_42] : memref<10000x112xf32, #tpu.memory_space<hbm>> -> memref<10000x112xf32, #tpu.memory_space<hbm>>
      tpu.wait_indirect_dma semaphore(%arg13 : memref<!tpu.dma_semaphore, #tpu.memory_space<semaphore_mem>>) src(%dma_wait3A_43 : memref<10000x112xf32, #tpu.memory_space<hbm>>) dst(%arg10 : memref<128x112xf32, #tpu.memory_space<vmem>>)
      %scan3A_44 = arith.constant 0 : i32
      %scan3A_45 = arith.constant 128 : i32
      %scan3A_46 = arith.addi %scan3A_44, %scan3A_45 : i32
      %scan3A_47 = arith.constant 1 : i32
      scf.for %scan3A_49 = %scan3A_44 to %scan3A_46 step %scan3A_47  : i32 {
        %mul3A_50 = arith.constant 1 : i32
        %mul3A_51 = arith.muli %scan3A_49, %mul3A_50 : i32
        %add3A_52 = arith.constant 0 : i32
        %add3A_53 = arith.addi %add3A_52, %mul3A_51 : i32
        %add3A_54 = arith.addi %mul3A_37, %add3A_53 : i32
        %broadcast_in_dim3A_55 = vector.broadcast %add3A_54 : i32 to vector<16xi32>
        %gather3A = tpu.vector_load_idx %arg9[%broadcast_in_dim3A_55] : memref<10240xf32, #tpu.memory_space<vmem>>[vector<16xi32>], vector<16xf32>,
        %broadcast_in_dim3A_56 = vector.broadcast %add3A_53 : i32 to vector<16xi32>
        %add3A_57 = arith.constant 0 : i32
        %add3A_58 = vector.broadcast %add3A_57 : i32 to vector<16xi32>
        %add3A_59 = arith.addi %iota3A, %add3A_58 : vector<16xi32>
        %gather3A_60 = tpu.vector_load_idx %arg10[%broadcast_in_dim3A_56, %add3A_59] : memref<128x112xf32, #tpu.memory_space<vmem>>[vector<16xi32>, vector<16xi32>], vector<16xf32>,
        %mul3A_61 = arith.mulf %gather3A_60, %gather3A : vector<16xf32>
        tpu.vector_store_idx %arg10[%broadcast_in_dim3A_56, %add3A_59], %mul3A_61 : memref<128x112xf32, #tpu.memory_space<vmem>>[vector<16xi32>, vector<16xi32>], vector<16xf32>,
        %add3A_62 = arith.constant 16 : i32
        %add3A_63 = vector.broadcast %add3A_62 : i32 to vector<16xi32>
        %add3A_64 = arith.addi %iota3A, %add3A_63 : vector<16xi32>
        %gather3A_65 = tpu.vector_load_idx %arg10[%broadcast_in_dim3A_56, %add3A_64] : memref<128x112xf32, #tpu.memory_space<vmem>>[vector<16xi32>, vector<16xi32>], vector<16xf32>,
        %mul3A_66 = arith.mulf %gather3A_65, %gather3A : vector<16xf32>
        tpu.vector_store_idx %arg10[%broadcast_in_dim3A_56, %add3A_64], %mul3A_66 : memref<128x112xf32, #tpu.memory_space<vmem>>[vector<16xi32>, vector<16xi32>], vector<16xf32>,
        %add3A_67 = arith.constant 32 : i32
        %add3A_68 = vector.broadcast %add3A_67 : i32 to vector<16xi32>
        %add3A_69 = arith.addi %iota3A, %add3A_68 : vector<16xi32>
        %gather3A_70 = tpu.vector_load_idx %arg10[%broadcast_in_dim3A_56, %add3A_69] : memref<128x112xf32, #tpu.memory_space<vmem>>[vector<16xi32>, vector<16xi32>], vector<16xf32>,
        %mul3A_71 = arith.mulf %gather3A_70, %gather3A : vector<16xf32>
        tpu.vector_store_idx %arg10[%broadcast_in_dim3A_56, %add3A_69], %mul3A_71 : memref<128x112xf32, #tpu.memory_space<vmem>>[vector<16xi32>, vector<16xi32>], vector<16xf32>,
        %add3A_72 = arith.constant 48 : i32
        %add3A_73 = vector.broadcast %add3A_72 : i32 to vector<16xi32>
        %add3A_74 = arith.addi %iota3A, %add3A_73 : vector<16xi32>
        %gather3A_75 = tpu.vector_load_idx %arg10[%broadcast_in_dim3A_56, %add3A_74] : memref<128x112xf32, #tpu.memory_space<vmem>>[vector<16xi32>, vector<16xi32>], vector<16xf32>,
        %mul3A_76 = arith.mulf %gather3A_75, %gather3A : vector<16xf32>
        tpu.vector_store_idx %arg10[%broadcast_in_dim3A_56, %add3A_74], %mul3A_76 : memref<128x112xf32, #tpu.memory_space<vmem>>[vector<16xi32>, vector<16xi32>], vector<16xf32>,
        %add3A_77 = arith.constant 64 : i32
        %add3A_78 = vector.broadcast %add3A_77 : i32 to vector<16xi32>
        %add3A_79 = arith.addi %iota3A, %add3A_78 : vector<16xi32>
        %gather3A_80 = tpu.vector_load_idx %arg10[%broadcast_in_dim3A_56, %add3A_79] : memref<128x112xf32, #tpu.memory_space<vmem>>[vector<16xi32>, vector<16xi32>], vector<16xf32>,
        %mul3A_81 = arith.mulf %gather3A_80, %gather3A : vector<16xf32>
        tpu.vector_store_idx %arg10[%broadcast_in_dim3A_56, %add3A_79], %mul3A_81 : memref<128x112xf32, #tpu.memory_space<vmem>>[vector<16xi32>, vector<16xi32>], vector<16xf32>,
        %add3A_82 = arith.constant 80 : i32
        %add3A_83 = vector.broadcast %add3A_82 : i32 to vector<16xi32>
        %add3A_84 = arith.addi %iota3A, %add3A_83 : vector<16xi32>
        %gather3A_85 = tpu.vector_load_idx %arg10[%broadcast_in_dim3A_56, %add3A_84] : memref<128x112xf32, #tpu.memory_space<vmem>>[vector<16xi32>, vector<16xi32>], vector<16xf32>,
        %mul3A_86 = arith.mulf %gather3A_85, %gather3A : vector<16xf32>
        tpu.vector_store_idx %arg10[%broadcast_in_dim3A_56, %add3A_84], %mul3A_86 : memref<128x112xf32, #tpu.memory_space<vmem>>[vector<16xi32>, vector<16xi32>], vector<16xf32>,
        %add3A_87 = arith.constant 96 : i32
        %add3A_88 = vector.broadcast %add3A_87 : i32 to vector<16xi32>
        %add3A_89 = arith.addi %iota3A, %add3A_88 : vector<16xi32>
        %gather3A_90 = tpu.vector_load_idx %arg10[%broadcast_in_dim3A_56, %add3A_89] : memref<128x112xf32, #tpu.memory_space<vmem>>[vector<16xi32>, vector<16xi32>], vector<16xf32>,
        %mul3A_91 = arith.mulf %gather3A_90, %gather3A : vector<16xf32>
        tpu.vector_store_idx %arg10[%broadcast_in_dim3A_56, %add3A_89], %mul3A_91 : memref<128x112xf32, #tpu.memory_space<vmem>>[vector<16xi32>, vector<16xi32>], vector<16xf32>,
      }
      %scan3A_48 = arith.constant 128 : i32
      "tpu.region"() ({
        %run_scoped3A = tpu.sem_alloc : memref<!tpu.dma_semaphore, #tpu.memory_space<semaphore_mem>>
        %dma_start3A_49 = arith.constant 0 : i32
        %dma_start3A_50 = tpu.memref_slice %arg8[%add3A_35, %dma_start3A_49] : memref<80x128xi32, #tpu.memory_space<vmem>> -> memref<1x128xi32, #tpu.memory_space<vmem>>
        %dma_start3A_51 = tpu.memref_squeeze %dma_start3A_50 : memref<1x128xi32, #tpu.memory_space<vmem>> -> memref<128xi32, #tpu.memory_space<vmem>>
        %dma_start3A_52 = arith.constant 0 : i32
        %dma_start3A_53 = arith.constant 0 : i32
        %dma_start3A_54 = tpu.memref_slice %arg12[%dma_start3A_52, %dma_start3A_53] : memref<10000x112xf32, #tpu.memory_space<vmem_shared>> -> memref<10000x112xf32, #tpu.memory_space<vmem_shared>>
        tpu.enqueue_indirect_dma source(%arg10 : memref<128x112xf32, #tpu.memory_space<vmem>>) target(%dma_start3A_54 : memref<10000x112xf32, #tpu.memory_space<vmem_shared>>) offsets(%dma_start3A_51 : memref<128xi32, #tpu.memory_space<vmem>>) semaphore(%run_scoped3A : memref<!tpu.dma_semaphore, #tpu.memory_space<semaphore_mem>>) {add = true}
        %dma_wait3A_55 = arith.constant 0 : i32
        %dma_wait3A_56 = tpu.memref_slice %arg8[%add3A_35, %dma_wait3A_55] : memref<80x128xi32, #tpu.memory_space<vmem>> -> memref<1x128xi32, #tpu.memory_space<vmem>>
        %dma_wait3A_57 = tpu.memref_squeeze %dma_wait3A_56 : memref<1x128xi32, #tpu.memory_space<vmem>> -> memref<128xi32, #tpu.memory_space<vmem>>
        %dma_wait3A_58 = arith.constant 0 : i32
        %dma_wait3A_59 = arith.constant 0 : i32
        %dma_wait3A_60 = tpu.memref_slice %arg12[%dma_wait3A_58, %dma_wait3A_59] : memref<10000x112xf32, #tpu.memory_space<vmem_shared>> -> memref<10000x112xf32, #tpu.memory_space<vmem_shared>>
        tpu.wait_indirect_dma semaphore(%run_scoped3A : memref<!tpu.dma_semaphore, #tpu.memory_space<semaphore_mem>>) src(%arg10 : memref<128x112xf32, #tpu.memory_space<vmem>>) dst(%dma_wait3A_60 : memref<10000x112xf32, #tpu.memory_space<vmem_shared>>)
        tpu.yield
      }) : () -> ()
    }
    %scan3A_24 = arith.constant 80 : i32
    %barrier3A_25 = arith.constant 0 : index
    tpu.barrier barrier_id(%barrier3A_25)
    "tpu.region"() ({
      %run_scoped3A = tpu.sem_alloc : memref<!tpu.dma_semaphore, #tpu.memory_space<semaphore_mem>>
      %dma_start3A = arith.constant 0 : i32
      %dma_start3A_31 = arith.constant 0 : i32
      %dma_start3A_32 = tpu.memref_slice %arg6[%arg0, %dma_start3A, %dma_start3A_31] : memref<2x10000x112xf32, #tpu.memory_space<hbm>> -> memref<1x10000x112xf32, #tpu.memory_space<hbm>>
      %dma_start3A_33 = tpu.memref_squeeze %dma_start3A_32 : memref<1x10000x112xf32, #tpu.memory_space<hbm>> -> memref<10000x112xf32, #tpu.memory_space<hbm>>
      %dma_start3A_34 = arith.constant 0 : i32
      %dma_start3A_35 = tpu.memref_slice %dma_start3A_33[%mul3A_7, %dma_start3A_34] : memref<10000x112xf32, #tpu.memory_space<hbm>> -> memref<624x112xf32, #tpu.memory_space<hbm>>
      %dma_start3A_36 = arith.constant 0 : i32
      %dma_start3A_37 = tpu.memref_slice %arg12[%mul3A_7, %dma_start3A_36] : memref<10000x112xf32, #tpu.memory_space<vmem_shared>> -> memref<624x112xf32, #tpu.memory_space<vmem_shared>>
      tpu.enqueue_dma source(%dma_start3A_37 : memref<624x112xf32, #tpu.memory_space<vmem_shared>>) target(%dma_start3A_35 : memref<624x112xf32, #tpu.memory_space<hbm>>) target_semaphore(%run_scoped3A : memref<!tpu.dma_semaphore, #tpu.memory_space<semaphore_mem>>)
      %dma_wait3A = arith.constant 0 : i32
      %dma_wait3A_38 = arith.constant 0 : i32
      %dma_wait3A_39 = tpu.memref_slice %arg6[%arg0, %dma_wait3A, %dma_wait3A_38] : memref<2x10000x112xf32, #tpu.memory_space<hbm>> -> memref<1x10000x112xf32, #tpu.memory_space<hbm>>
      %dma_wait3A_40 = tpu.memref_squeeze %dma_wait3A_39 : memref<1x10000x112xf32, #tpu.memory_space<hbm>> -> memref<10000x112xf32, #tpu.memory_space<hbm>>
      %dma_wait3A_41 = arith.constant 0 : i32
      %dma_wait3A_42 = tpu.memref_slice %dma_wait3A_40[%mul3A_7, %dma_wait3A_41] : memref<10000x112xf32, #tpu.memory_space<hbm>> -> memref<624x112xf32, #tpu.memory_space<hbm>>
      %dma_wait3A_43 = arith.constant 0 : i32
      %dma_wait3A_44 = tpu.memref_slice %arg12[%mul3A_7, %dma_wait3A_43] : memref<10000x112xf32, #tpu.memory_space<vmem_shared>> -> memref<624x112xf32, #tpu.memory_space<vmem_shared>>
      tpu.wait_dma2 semaphore(%run_scoped3A : memref<!tpu.dma_semaphore, #tpu.memory_space<semaphore_mem>>) src(%dma_wait3A_44 : memref<624x112xf32, #tpu.memory_space<vmem_shared>>) dst(%dma_wait3A_42 : memref<624x112xf32, #tpu.memory_space<hbm>>)
      tpu.yield
    }) : () -> ()
    %eq3A_26 = arith.constant 15 : i32
    %eq3A_27 = arith.cmpi eq, %arg1, %eq3A_26 : i32
    %convert_element_type3A_28 = arith.extui %eq3A_27 : i1 to i32
    %cond3A_29 = arith.constant 0 : i32
    %cond3A_30 = arith.cmpi ne, %convert_element_type3A_28, %cond3A_29 : i32
    scf.if %cond3A_30 {
      "tpu.region"() ({
        %run_scoped3A = tpu.sem_alloc : memref<!tpu.dma_semaphore, #tpu.memory_space<semaphore_mem>>
        %dma_start3A = arith.constant 0 : i32
        %dma_start3A_31 = arith.constant 0 : i32
        %dma_start3A_32 = tpu.memref_slice %arg6[%arg0, %dma_start3A, %dma_start3A_31] : memref<2x10000x112xf32, #tpu.memory_space<hbm>> -> memref<1x10000x112xf32, #tpu.memory_space<hbm>>
        %dma_start3A_33 = tpu.memref_squeeze %dma_start3A_32 : memref<1x10000x112xf32, #tpu.memory_space<hbm>> -> memref<10000x112xf32, #tpu.memory_space<hbm>>
        %dma_start3A_34 = arith.constant 9984 : i32
        %dma_start3A_35 = arith.constant 0 : i32
        %dma_start3A_36 = tpu.memref_slice %dma_start3A_33[%dma_start3A_34, %dma_start3A_35] : memref<10000x112xf32, #tpu.memory_space<hbm>> -> memref<16x112xf32, #tpu.memory_space<hbm>>
        %dma_start3A_37 = arith.constant 9984 : i32
        %dma_start3A_38 = arith.constant 0 : i32
        %dma_start3A_39 = tpu.memref_slice %arg12[%dma_start3A_37, %dma_start3A_38] : memref<10000x112xf32, #tpu.memory_space<vmem_shared>> -> memref<16x112xf32, #tpu.memory_space<vmem_shared>>
        tpu.enqueue_dma source(%dma_start3A_39 : memref<16x112xf32, #tpu.memory_space<vmem_shared>>) target(%dma_start3A_36 : memref<16x112xf32, #tpu.memory_space<hbm>>) target_semaphore(%run_scoped3A : memref<!tpu.dma_semaphore, #tpu.memory_space<semaphore_mem>>)
        %dma_wait3A = arith.constant 0 : i32
        %dma_wait3A_40 = arith.constant 0 : i32
        %dma_wait3A_41 = tpu.memref_slice %arg6[%arg0, %dma_wait3A, %dma_wait3A_40] : memref<2x10000x112xf32, #tpu.memory_space<hbm>> -> memref<1x10000x112xf32, #tpu.memory_space<hbm>>
        %dma_wait3A_42 = tpu.memref_squeeze %dma_wait3A_41 : memref<1x10000x112xf32, #tpu.memory_space<hbm>> -> memref<10000x112xf32, #tpu.memory_space<hbm>>
        %dma_wait3A_43 = arith.constant 9984 : i32
        %dma_wait3A_44 = arith.constant 0 : i32
        %dma_wait3A_45 = tpu.memref_slice %dma_wait3A_42[%dma_wait3A_43, %dma_wait3A_44] : memref<10000x112xf32, #tpu.memory_space<hbm>> -> memref<16x112xf32, #tpu.memory_space<hbm>>
        %dma_wait3A_46 = arith.constant 9984 : i32
        %dma_wait3A_47 = arith.constant 0 : i32
        %dma_wait3A_48 = tpu.memref_slice %arg12[%dma_wait3A_46, %dma_wait3A_47] : memref<10000x112xf32, #tpu.memory_space<vmem_shared>> -> memref<16x112xf32, #tpu.memory_space<vmem_shared>>
        tpu.wait_dma2 semaphore(%run_scoped3A : memref<!tpu.dma_semaphore, #tpu.memory_space<semaphore_mem>>) src(%dma_wait3A_48 : memref<16x112xf32, #tpu.memory_space<vmem_shared>>) dst(%dma_wait3A_45 : memref<16x112xf32, #tpu.memory_space<hbm>>)
        tpu.yield
      }) : () -> ()
    } else {
    }
    return
  }
}

#map = affine_map<(d0, d1) -> (0, 0)>
#map1 = affine_map<(d0, d1) -> (0, 0, 0)>
module attributes {stable_mosaic.version = 14 : i64} {
  func.func @k(%arg0: i32, %arg1: i32, %arg2: memref<10000x48xf32, #tpu.memory_space<hbm>>, %arg3: memref<32x10240xi32, #tpu.memory_space<hbm>>, %arg4: memref<32x80x128xi32, #tpu.memory_space<hbm>>, %arg5: memref<32x10240xf32, #tpu.memory_space<hbm>>, %arg6: memref<2x10000x48xf32, #tpu.memory_space<hbm>>, %arg7: memref<10240xi32, #tpu.memory_space<vmem>>, %arg8: memref<80x128xi32, #tpu.memory_space<vmem>>, %arg9: memref<10240xf32, #tpu.memory_space<vmem>>, %arg10: memref<128x48xf32, #tpu.memory_space<vmem>>, %arg11: memref<128x48xf32, #tpu.memory_space<vmem>>, %arg12: memref<10000x48xf32, #tpu.memory_space<vmem_shared>>, %arg13: memref<!tpu.dma_semaphore, #tpu.memory_space<semaphore_mem>>) attributes {dimension_semantics = [#tpu.dimension_semantics<core_parallel>, #tpu.dimension_semantics<subcore_parallel>], iteration_bounds = array<i64: 2, 16>, scalar_prefetch = 0 : i64, scratch_operands = 7 : i64, tpu.core_type = #tpu.core_type<sc_vector_subcore>, window_params = [{transform_indices = #map}, {transform_indices = #map}, {transform_indices = #map1}, {transform_indices = #map}, {transform_indices = #map1}]} {
    %mul3A = arith.constant 16 : i32
    %mul3A_0 = arith.muli %arg0, %mul3A : i32
    %add3A = arith.addi %mul3A_0, %arg1 : i32
    %iota3A = tpu.iota {dimensions = array<i32: 0>} : vector<16xi32>
    "tpu.region"() ({
      %run_scoped3A = tpu.sem_alloc : memref<!tpu.dma_semaphore, #tpu.memory_space<semaphore_mem>>
      %dma_start3A = arith.constant 0 : i32
      %dma_start3A_31 = tpu.memref_slice %arg3[%add3A, %dma_start3A] : memref<32x10240xi32, #tpu.memory_space<hbm>> -> memref<1x10240xi32, #tpu.memory_space<hbm>>
      %dma_start3A_32 = tpu.memref_squeeze %dma_start3A_31 : memref<1x10240xi32, #tpu.memory_space<hbm>> -> memref<10240xi32, #tpu.memory_space<hbm>>
      %dma_start3A_33 = arith.constant 0 : i32
      %dma_start3A_34 = tpu.memref_slice %arg3[%add3A, %dma_start3A_33] : memref<32x10240xi32, #tpu.memory_space<hbm>> -> memref<1x10240xi32, #tpu.memory_space<hbm>>
      %dma_start3A_35 = tpu.memref_squeeze %dma_start3A_34 : memref<1x10240xi32, #tpu.memory_space<hbm>> -> memref<10240xi32, #tpu.memory_space<hbm>>
      tpu.enqueue_dma source(%dma_start3A_35 : memref<10240xi32, #tpu.memory_space<hbm>>) target(%arg7 : memref<10240xi32, #tpu.memory_space<vmem>>) target_semaphore(%run_scoped3A : memref<!tpu.dma_semaphore, #tpu.memory_space<semaphore_mem>>)
      %dma_wait3A = arith.constant 0 : i32
      %dma_wait3A_36 = tpu.memref_slice %arg3[%add3A, %dma_wait3A] : memref<32x10240xi32, #tpu.memory_space<hbm>> -> memref<1x10240xi32, #tpu.memory_space<hbm>>
      %dma_wait3A_37 = tpu.memref_squeeze %dma_wait3A_36 : memref<1x10240xi32, #tpu.memory_space<hbm>> -> memref<10240xi32, #tpu.memory_space<hbm>>
      %dma_wait3A_38 = arith.constant 0 : i32
      %dma_wait3A_39 = tpu.memref_slice %arg3[%add3A, %dma_wait3A_38] : memref<32x10240xi32, #tpu.memory_space<hbm>> -> memref<1x10240xi32, #tpu.memory_space<hbm>>
      %dma_wait3A_40 = tpu.memref_squeeze %dma_wait3A_39 : memref<1x10240xi32, #tpu.memory_space<hbm>> -> memref<10240xi32, #tpu.memory_space<hbm>>
      tpu.wait_dma2 semaphore(%run_scoped3A : memref<!tpu.dma_semaphore, #tpu.memory_space<semaphore_mem>>) src(%dma_wait3A_40 : memref<10240xi32, #tpu.memory_space<hbm>>) dst(%arg7 : memref<10240xi32, #tpu.memory_space<vmem>>)
      tpu.yield
    }) : () -> ()
    "tpu.region"() ({
      %run_scoped3A = tpu.sem_alloc : memref<!tpu.dma_semaphore, #tpu.memory_space<semaphore_mem>>
      %dma_start3A = arith.constant 0 : i32
      %dma_start3A_31 = arith.constant 0 : i32
      %dma_start3A_32 = tpu.memref_slice %arg4[%add3A, %dma_start3A, %dma_start3A_31] : memref<32x80x128xi32, #tpu.memory_space<hbm>> -> memref<1x80x128xi32, #tpu.memory_space<hbm>>
      %dma_start3A_33 = tpu.memref_squeeze %dma_start3A_32 : memref<1x80x128xi32, #tpu.memory_space<hbm>> -> memref<80x128xi32, #tpu.memory_space<hbm>>
      %dma_start3A_34 = arith.constant 0 : i32
      %dma_start3A_35 = arith.constant 0 : i32
      %dma_start3A_36 = tpu.memref_slice %arg4[%add3A, %dma_start3A_34, %dma_start3A_35] : memref<32x80x128xi32, #tpu.memory_space<hbm>> -> memref<1x80x128xi32, #tpu.memory_space<hbm>>
      %dma_start3A_37 = tpu.memref_squeeze %dma_start3A_36 : memref<1x80x128xi32, #tpu.memory_space<hbm>> -> memref<80x128xi32, #tpu.memory_space<hbm>>
      tpu.enqueue_dma source(%dma_start3A_37 : memref<80x128xi32, #tpu.memory_space<hbm>>) target(%arg8 : memref<80x128xi32, #tpu.memory_space<vmem>>) target_semaphore(%run_scoped3A : memref<!tpu.dma_semaphore, #tpu.memory_space<semaphore_mem>>)
      %dma_wait3A = arith.constant 0 : i32
      %dma_wait3A_38 = arith.constant 0 : i32
      %dma_wait3A_39 = tpu.memref_slice %arg4[%add3A, %dma_wait3A, %dma_wait3A_38] : memref<32x80x128xi32, #tpu.memory_space<hbm>> -> memref<1x80x128xi32, #tpu.memory_space<hbm>>
      %dma_wait3A_40 = tpu.memref_squeeze %dma_wait3A_39 : memref<1x80x128xi32, #tpu.memory_space<hbm>> -> memref<80x128xi32, #tpu.memory_space<hbm>>
      %dma_wait3A_41 = arith.constant 0 : i32
      %dma_wait3A_42 = arith.constant 0 : i32
      %dma_wait3A_43 = tpu.memref_slice %arg4[%add3A, %dma_wait3A_41, %dma_wait3A_42] : memref<32x80x128xi32, #tpu.memory_space<hbm>> -> memref<1x80x128xi32, #tpu.memory_space<hbm>>
      %dma_wait3A_44 = tpu.memref_squeeze %dma_wait3A_43 : memref<1x80x128xi32, #tpu.memory_space<hbm>> -> memref<80x128xi32, #tpu.memory_space<hbm>>
      tpu.wait_dma2 semaphore(%run_scoped3A : memref<!tpu.dma_semaphore, #tpu.memory_space<semaphore_mem>>) src(%dma_wait3A_44 : memref<80x128xi32, #tpu.memory_space<hbm>>) dst(%arg8 : memref<80x128xi32, #tpu.memory_space<vmem>>)
      tpu.yield
    }) : () -> ()
    "tpu.region"() ({
      %run_scoped3A = tpu.sem_alloc : memref<!tpu.dma_semaphore, #tpu.memory_space<semaphore_mem>>
      %dma_start3A = arith.constant 0 : i32
      %dma_start3A_31 = tpu.memref_slice %arg5[%add3A, %dma_start3A] : memref<32x10240xf32, #tpu.memory_space<hbm>> -> memref<1x10240xf32, #tpu.memory_space<hbm>>
      %dma_start3A_32 = tpu.memref_squeeze %dma_start3A_31 : memref<1x10240xf32, #tpu.memory_space<hbm>> -> memref<10240xf32, #tpu.memory_space<hbm>>
      %dma_start3A_33 = arith.constant 0 : i32
      %dma_start3A_34 = tpu.memref_slice %arg5[%add3A, %dma_start3A_33] : memref<32x10240xf32, #tpu.memory_space<hbm>> -> memref<1x10240xf32, #tpu.memory_space<hbm>>
      %dma_start3A_35 = tpu.memref_squeeze %dma_start3A_34 : memref<1x10240xf32, #tpu.memory_space<hbm>> -> memref<10240xf32, #tpu.memory_space<hbm>>
      tpu.enqueue_dma source(%dma_start3A_35 : memref<10240xf32, #tpu.memory_space<hbm>>) target(%arg9 : memref<10240xf32, #tpu.memory_space<vmem>>) target_semaphore(%run_scoped3A : memref<!tpu.dma_semaphore, #tpu.memory_space<semaphore_mem>>)
      %dma_wait3A = arith.constant 0 : i32
      %dma_wait3A_36 = tpu.memref_slice %arg5[%add3A, %dma_wait3A] : memref<32x10240xf32, #tpu.memory_space<hbm>> -> memref<1x10240xf32, #tpu.memory_space<hbm>>
      %dma_wait3A_37 = tpu.memref_squeeze %dma_wait3A_36 : memref<1x10240xf32, #tpu.memory_space<hbm>> -> memref<10240xf32, #tpu.memory_space<hbm>>
      %dma_wait3A_38 = arith.constant 0 : i32
      %dma_wait3A_39 = tpu.memref_slice %arg5[%add3A, %dma_wait3A_38] : memref<32x10240xf32, #tpu.memory_space<hbm>> -> memref<1x10240xf32, #tpu.memory_space<hbm>>
      %dma_wait3A_40 = tpu.memref_squeeze %dma_wait3A_39 : memref<1x10240xf32, #tpu.memory_space<hbm>> -> memref<10240xf32, #tpu.memory_space<hbm>>
      tpu.wait_dma2 semaphore(%run_scoped3A : memref<!tpu.dma_semaphore, #tpu.memory_space<semaphore_mem>>) src(%dma_wait3A_40 : memref<10240xf32, #tpu.memory_space<hbm>>) dst(%arg9 : memref<10240xf32, #tpu.memory_space<vmem>>)
      tpu.yield
    }) : () -> ()
    %broadcast_in_dim3A = arith.constant 0.000000e+00 : f32
    %broadcast_in_dim3A_1 = vector.broadcast %broadcast_in_dim3A : f32 to vector<16xf32>
    %scan3A = arith.constant 0 : i32
    %scan3A_2 = arith.constant 128 : i32
    %scan3A_3 = arith.addi %scan3A, %scan3A_2 : i32
    %scan3A_4 = arith.constant 1 : i32
    scf.for %scan3A_31 = %scan3A to %scan3A_3 step %scan3A_4  : i32 {
      %mul3A_32 = arith.constant 1 : i32
      %mul3A_33 = arith.muli %scan3A_31, %mul3A_32 : i32
      %add3A_34 = arith.constant 0 : i32
      %add3A_35 = arith.addi %add3A_34, %mul3A_33 : i32
      %broadcast_in_dim3A_36 = vector.broadcast %add3A_35 : i32 to vector<16xi32>
      %add3A_37 = arith.constant 0 : i32
      %add3A_38 = vector.broadcast %add3A_37 : i32 to vector<16xi32>
      %add3A_39 = arith.addi %iota3A, %add3A_38 : vector<16xi32>
      tpu.vector_store_idx %arg11[%broadcast_in_dim3A_36, %add3A_39], %broadcast_in_dim3A_1 : memref<128x48xf32, #tpu.memory_space<vmem>>[vector<16xi32>, vector<16xi32>], vector<16xf32>,
      %add3A_40 = arith.constant 16 : i32
      %add3A_41 = vector.broadcast %add3A_40 : i32 to vector<16xi32>
      %add3A_42 = arith.addi %iota3A, %add3A_41 : vector<16xi32>
      tpu.vector_store_idx %arg11[%broadcast_in_dim3A_36, %add3A_42], %broadcast_in_dim3A_1 : memref<128x48xf32, #tpu.memory_space<vmem>>[vector<16xi32>, vector<16xi32>], vector<16xf32>,
      %add3A_43 = arith.constant 32 : i32
      %add3A_44 = vector.broadcast %add3A_43 : i32 to vector<16xi32>
      %add3A_45 = arith.addi %iota3A, %add3A_44 : vector<16xi32>
      tpu.vector_store_idx %arg11[%broadcast_in_dim3A_36, %add3A_45], %broadcast_in_dim3A_1 : memref<128x48xf32, #tpu.memory_space<vmem>>[vector<16xi32>, vector<16xi32>], vector<16xf32>,
    }
    %scan3A_5 = arith.constant 128 : i32
    %mul3A_6 = arith.constant 624 : i32
    %mul3A_7 = arith.muli %arg1, %mul3A_6 : i32
    %add3A_8 = arith.constant 0 : i32
    %add3A_9 = arith.addi %mul3A_7, %add3A_8 : i32
    "tpu.region"() ({
      %run_scoped3A = tpu.sem_alloc : memref<!tpu.dma_semaphore, #tpu.memory_space<semaphore_mem>>
      %dma_start3A = arith.constant 0 : i32
      %dma_start3A_31 = tpu.memref_slice %arg12[%add3A_9, %dma_start3A] : memref<10000x48xf32, #tpu.memory_space<vmem_shared>> -> memref<128x48xf32, #tpu.memory_space<vmem_shared>>
      %dma_start3A_32 = arith.constant 0 : i32
      %dma_start3A_33 = tpu.memref_slice %arg12[%add3A_9, %dma_start3A_32] : memref<10000x48xf32, #tpu.memory_space<vmem_shared>> -> memref<128x48xf32, #tpu.memory_space<vmem_shared>>
      tpu.enqueue_dma source(%arg11 : memref<128x48xf32, #tpu.memory_space<vmem>>) target(%dma_start3A_33 : memref<128x48xf32, #tpu.memory_space<vmem_shared>>) target_semaphore(%run_scoped3A : memref<!tpu.dma_semaphore, #tpu.memory_space<semaphore_mem>>)
      %dma_wait3A = arith.constant 0 : i32
      %dma_wait3A_34 = tpu.memref_slice %arg12[%add3A_9, %dma_wait3A] : memref<10000x48xf32, #tpu.memory_space<vmem_shared>> -> memref<128x48xf32, #tpu.memory_space<vmem_shared>>
      %dma_wait3A_35 = arith.constant 0 : i32
      %dma_wait3A_36 = tpu.memref_slice %arg12[%add3A_9, %dma_wait3A_35] : memref<10000x48xf32, #tpu.memory_space<vmem_shared>> -> memref<128x48xf32, #tpu.memory_space<vmem_shared>>
      tpu.wait_dma2 semaphore(%run_scoped3A : memref<!tpu.dma_semaphore, #tpu.memory_space<semaphore_mem>>) src(%arg11 : memref<128x48xf32, #tpu.memory_space<vmem>>) dst(%dma_wait3A_36 : memref<128x48xf32, #tpu.memory_space<vmem_shared>>)
      tpu.yield
    }) : () -> ()
    %add3A_10 = arith.constant 128 : i32
    %add3A_11 = arith.addi %mul3A_7, %add3A_10 : i32
    "tpu.region"() ({
      %run_scoped3A = tpu.sem_alloc : memref<!tpu.dma_semaphore, #tpu.memory_space<semaphore_mem>>
      %dma_start3A = arith.constant 0 : i32
      %dma_start3A_31 = tpu.memref_slice %arg12[%add3A_11, %dma_start3A] : memref<10000x48xf32, #tpu.memory_space<vmem_shared>> -> memref<128x48xf32, #tpu.memory_space<vmem_shared>>
      %dma_start3A_32 = arith.constant 0 : i32
      %dma_start3A_33 = tpu.memref_slice %arg12[%add3A_11, %dma_start3A_32] : memref<10000x48xf32, #tpu.memory_space<vmem_shared>> -> memref<128x48xf32, #tpu.memory_space<vmem_shared>>
      tpu.enqueue_dma source(%arg11 : memref<128x48xf32, #tpu.memory_space<vmem>>) target(%dma_start3A_33 : memref<128x48xf32, #tpu.memory_space<vmem_shared>>) target_semaphore(%run_scoped3A : memref<!tpu.dma_semaphore, #tpu.memory_space<semaphore_mem>>)
      %dma_wait3A = arith.constant 0 : i32
      %dma_wait3A_34 = tpu.memref_slice %arg12[%add3A_11, %dma_wait3A] : memref<10000x48xf32, #tpu.memory_space<vmem_shared>> -> memref<128x48xf32, #tpu.memory_space<vmem_shared>>
      %dma_wait3A_35 = arith.constant 0 : i32
      %dma_wait3A_36 = tpu.memref_slice %arg12[%add3A_11, %dma_wait3A_35] : memref<10000x48xf32, #tpu.memory_space<vmem_shared>> -> memref<128x48xf32, #tpu.memory_space<vmem_shared>>
      tpu.wait_dma2 semaphore(%run_scoped3A : memref<!tpu.dma_semaphore, #tpu.memory_space<semaphore_mem>>) src(%arg11 : memref<128x48xf32, #tpu.memory_space<vmem>>) dst(%dma_wait3A_36 : memref<128x48xf32, #tpu.memory_space<vmem_shared>>)
      tpu.yield
    }) : () -> ()
    %add3A_12 = arith.constant 256 : i32
    %add3A_13 = arith.addi %mul3A_7, %add3A_12 : i32
    "tpu.region"() ({
      %run_scoped3A = tpu.sem_alloc : memref<!tpu.dma_semaphore, #tpu.memory_space<semaphore_mem>>
      %dma_start3A = arith.constant 0 : i32
      %dma_start3A_31 = tpu.memref_slice %arg12[%add3A_13, %dma_start3A] : memref<10000x48xf32, #tpu.memory_space<vmem_shared>> -> memref<128x48xf32, #tpu.memory_space<vmem_shared>>
      %dma_start3A_32 = arith.constant 0 : i32
      %dma_start3A_33 = tpu.memref_slice %arg12[%add3A_13, %dma_start3A_32] : memref<10000x48xf32, #tpu.memory_space<vmem_shared>> -> memref<128x48xf32, #tpu.memory_space<vmem_shared>>
      tpu.enqueue_dma source(%arg11 : memref<128x48xf32, #tpu.memory_space<vmem>>) target(%dma_start3A_33 : memref<128x48xf32, #tpu.memory_space<vmem_shared>>) target_semaphore(%run_scoped3A : memref<!tpu.dma_semaphore, #tpu.memory_space<semaphore_mem>>)
      %dma_wait3A = arith.constant 0 : i32
      %dma_wait3A_34 = tpu.memref_slice %arg12[%add3A_13, %dma_wait3A] : memref<10000x48xf32, #tpu.memory_space<vmem_shared>> -> memref<128x48xf32, #tpu.memory_space<vmem_shared>>
      %dma_wait3A_35 = arith.constant 0 : i32
      %dma_wait3A_36 = tpu.memref_slice %arg12[%add3A_13, %dma_wait3A_35] : memref<10000x48xf32, #tpu.memory_space<vmem_shared>> -> memref<128x48xf32, #tpu.memory_space<vmem_shared>>
      tpu.wait_dma2 semaphore(%run_scoped3A : memref<!tpu.dma_semaphore, #tpu.memory_space<semaphore_mem>>) src(%arg11 : memref<128x48xf32, #tpu.memory_space<vmem>>) dst(%dma_wait3A_36 : memref<128x48xf32, #tpu.memory_space<vmem_shared>>)
      tpu.yield
    }) : () -> ()
    %add3A_14 = arith.constant 384 : i32
    %add3A_15 = arith.addi %mul3A_7, %add3A_14 : i32
    "tpu.region"() ({
      %run_scoped3A = tpu.sem_alloc : memref<!tpu.dma_semaphore, #tpu.memory_space<semaphore_mem>>
      %dma_start3A = arith.constant 0 : i32
      %dma_start3A_31 = tpu.memref_slice %arg12[%add3A_15, %dma_start3A] : memref<10000x48xf32, #tpu.memory_space<vmem_shared>> -> memref<128x48xf32, #tpu.memory_space<vmem_shared>>
      %dma_start3A_32 = arith.constant 0 : i32
      %dma_start3A_33 = tpu.memref_slice %arg12[%add3A_15, %dma_start3A_32] : memref<10000x48xf32, #tpu.memory_space<vmem_shared>> -> memref<128x48xf32, #tpu.memory_space<vmem_shared>>
      tpu.enqueue_dma source(%arg11 : memref<128x48xf32, #tpu.memory_space<vmem>>) target(%dma_start3A_33 : memref<128x48xf32, #tpu.memory_space<vmem_shared>>) target_semaphore(%run_scoped3A : memref<!tpu.dma_semaphore, #tpu.memory_space<semaphore_mem>>)
      %dma_wait3A = arith.constant 0 : i32
      %dma_wait3A_34 = tpu.memref_slice %arg12[%add3A_15, %dma_wait3A] : memref<10000x48xf32, #tpu.memory_space<vmem_shared>> -> memref<128x48xf32, #tpu.memory_space<vmem_shared>>
      %dma_wait3A_35 = arith.constant 0 : i32
      %dma_wait3A_36 = tpu.memref_slice %arg12[%add3A_15, %dma_wait3A_35] : memref<10000x48xf32, #tpu.memory_space<vmem_shared>> -> memref<128x48xf32, #tpu.memory_space<vmem_shared>>
      tpu.wait_dma2 semaphore(%run_scoped3A : memref<!tpu.dma_semaphore, #tpu.memory_space<semaphore_mem>>) src(%arg11 : memref<128x48xf32, #tpu.memory_space<vmem>>) dst(%dma_wait3A_36 : memref<128x48xf32, #tpu.memory_space<vmem_shared>>)
      tpu.yield
    }) : () -> ()
    %add3A_16 = arith.constant 512 : i32
    %add3A_17 = arith.addi %mul3A_7, %add3A_16 : i32
    "tpu.region"() ({
      %run_scoped3A = tpu.sem_alloc : memref<!tpu.dma_semaphore, #tpu.memory_space<semaphore_mem>>
      %dma_start3A = arith.constant 0 : i32
      %dma_start3A_31 = arith.constant 0 : i32
      %dma_start3A_32 = tpu.memref_slice %arg11[%dma_start3A, %dma_start3A_31] : memref<128x48xf32, #tpu.memory_space<vmem>> -> memref<112x48xf32, #tpu.memory_space<vmem>>
      %dma_start3A_33 = arith.constant 0 : i32
      %dma_start3A_34 = tpu.memref_slice %arg12[%add3A_17, %dma_start3A_33] : memref<10000x48xf32, #tpu.memory_space<vmem_shared>> -> memref<112x48xf32, #tpu.memory_space<vmem_shared>>
      %dma_start3A_35 = arith.constant 0 : i32
      %dma_start3A_36 = tpu.memref_slice %arg12[%add3A_17, %dma_start3A_35] : memref<10000x48xf32, #tpu.memory_space<vmem_shared>> -> memref<112x48xf32, #tpu.memory_space<vmem_shared>>
      %dma_start3A_37 = arith.constant 0 : i32
      %dma_start3A_38 = arith.constant 0 : i32
      %dma_start3A_39 = tpu.memref_slice %arg11[%dma_start3A_37, %dma_start3A_38] : memref<128x48xf32, #tpu.memory_space<vmem>> -> memref<112x48xf32, #tpu.memory_space<vmem>>
      tpu.enqueue_dma source(%dma_start3A_39 : memref<112x48xf32, #tpu.memory_space<vmem>>) target(%dma_start3A_36 : memref<112x48xf32, #tpu.memory_space<vmem_shared>>) target_semaphore(%run_scoped3A : memref<!tpu.dma_semaphore, #tpu.memory_space<semaphore_mem>>)
      %dma_wait3A = arith.constant 0 : i32
      %dma_wait3A_40 = arith.constant 0 : i32
      %dma_wait3A_41 = tpu.memref_slice %arg11[%dma_wait3A, %dma_wait3A_40] : memref<128x48xf32, #tpu.memory_space<vmem>> -> memref<112x48xf32, #tpu.memory_space<vmem>>
      %dma_wait3A_42 = arith.constant 0 : i32
      %dma_wait3A_43 = tpu.memref_slice %arg12[%add3A_17, %dma_wait3A_42] : memref<10000x48xf32, #tpu.memory_space<vmem_shared>> -> memref<112x48xf32, #tpu.memory_space<vmem_shared>>
      %dma_wait3A_44 = arith.constant 0 : i32
      %dma_wait3A_45 = tpu.memref_slice %arg12[%add3A_17, %dma_wait3A_44] : memref<10000x48xf32, #tpu.memory_space<vmem_shared>> -> memref<112x48xf32, #tpu.memory_space<vmem_shared>>
      %dma_wait3A_46 = arith.constant 0 : i32
      %dma_wait3A_47 = arith.constant 0 : i32
      %dma_wait3A_48 = tpu.memref_slice %arg11[%dma_wait3A_46, %dma_wait3A_47] : memref<128x48xf32, #tpu.memory_space<vmem>> -> memref<112x48xf32, #tpu.memory_space<vmem>>
      tpu.wait_dma2 semaphore(%run_scoped3A : memref<!tpu.dma_semaphore, #tpu.memory_space<semaphore_mem>>) src(%dma_wait3A_48 : memref<112x48xf32, #tpu.memory_space<vmem>>) dst(%dma_wait3A_45 : memref<112x48xf32, #tpu.memory_space<vmem_shared>>)
      tpu.yield
    }) : () -> ()
    %eq3A = arith.constant 15 : i32
    %eq3A_18 = arith.cmpi eq, %arg1, %eq3A : i32
    %convert_element_type3A = arith.extui %eq3A_18 : i1 to i32
    %cond3A = arith.constant 0 : i32
    %cond3A_19 = arith.cmpi ne, %convert_element_type3A, %cond3A : i32
    scf.if %cond3A_19 {
      "tpu.region"() ({
        %run_scoped3A = tpu.sem_alloc : memref<!tpu.dma_semaphore, #tpu.memory_space<semaphore_mem>>
        %dma_start3A = arith.constant 0 : i32
        %dma_start3A_31 = arith.constant 0 : i32
        %dma_start3A_32 = tpu.memref_slice %arg11[%dma_start3A, %dma_start3A_31] : memref<128x48xf32, #tpu.memory_space<vmem>> -> memref<16x48xf32, #tpu.memory_space<vmem>>
        %dma_start3A_33 = arith.constant 9984 : i32
        %dma_start3A_34 = arith.constant 0 : i32
        %dma_start3A_35 = tpu.memref_slice %arg12[%dma_start3A_33, %dma_start3A_34] : memref<10000x48xf32, #tpu.memory_space<vmem_shared>> -> memref<16x48xf32, #tpu.memory_space<vmem_shared>>
        %dma_start3A_36 = arith.constant 9984 : i32
        %dma_start3A_37 = arith.constant 0 : i32
        %dma_start3A_38 = tpu.memref_slice %arg12[%dma_start3A_36, %dma_start3A_37] : memref<10000x48xf32, #tpu.memory_space<vmem_shared>> -> memref<16x48xf32, #tpu.memory_space<vmem_shared>>
        %dma_start3A_39 = arith.constant 0 : i32
        %dma_start3A_40 = arith.constant 0 : i32
        %dma_start3A_41 = tpu.memref_slice %arg11[%dma_start3A_39, %dma_start3A_40] : memref<128x48xf32, #tpu.memory_space<vmem>> -> memref<16x48xf32, #tpu.memory_space<vmem>>
        tpu.enqueue_dma source(%dma_start3A_41 : memref<16x48xf32, #tpu.memory_space<vmem>>) target(%dma_start3A_38 : memref<16x48xf32, #tpu.memory_space<vmem_shared>>) target_semaphore(%run_scoped3A : memref<!tpu.dma_semaphore, #tpu.memory_space<semaphore_mem>>)
        %dma_wait3A = arith.constant 0 : i32
        %dma_wait3A_42 = arith.constant 0 : i32
        %dma_wait3A_43 = tpu.memref_slice %arg11[%dma_wait3A, %dma_wait3A_42] : memref<128x48xf32, #tpu.memory_space<vmem>> -> memref<16x48xf32, #tpu.memory_space<vmem>>
        %dma_wait3A_44 = arith.constant 9984 : i32
        %dma_wait3A_45 = arith.constant 0 : i32
        %dma_wait3A_46 = tpu.memref_slice %arg12[%dma_wait3A_44, %dma_wait3A_45] : memref<10000x48xf32, #tpu.memory_space<vmem_shared>> -> memref<16x48xf32, #tpu.memory_space<vmem_shared>>
        %dma_wait3A_47 = arith.constant 9984 : i32
        %dma_wait3A_48 = arith.constant 0 : i32
        %dma_wait3A_49 = tpu.memref_slice %arg12[%dma_wait3A_47, %dma_wait3A_48] : memref<10000x48xf32, #tpu.memory_space<vmem_shared>> -> memref<16x48xf32, #tpu.memory_space<vmem_shared>>
        %dma_wait3A_50 = arith.constant 0 : i32
        %dma_wait3A_51 = arith.constant 0 : i32
        %dma_wait3A_52 = tpu.memref_slice %arg11[%dma_wait3A_50, %dma_wait3A_51] : memref<128x48xf32, #tpu.memory_space<vmem>> -> memref<16x48xf32, #tpu.memory_space<vmem>>
        tpu.wait_dma2 semaphore(%run_scoped3A : memref<!tpu.dma_semaphore, #tpu.memory_space<semaphore_mem>>) src(%dma_wait3A_52 : memref<16x48xf32, #tpu.memory_space<vmem>>) dst(%dma_wait3A_49 : memref<16x48xf32, #tpu.memory_space<vmem_shared>>)
        tpu.yield
      }) : () -> ()
    } else {
    }
    %barrier3A = arith.constant 0 : index
    tpu.barrier barrier_id(%barrier3A)
    %scan3A_20 = arith.constant 0 : i32
    %scan3A_21 = arith.constant 80 : i32
    %scan3A_22 = arith.addi %scan3A_20, %scan3A_21 : i32
    %scan3A_23 = arith.constant 1 : i32
    scf.for %scan3A_31 = %scan3A_20 to %scan3A_22 step %scan3A_23  : i32 {
      %mul3A_32 = arith.constant 1 : i32
      %mul3A_33 = arith.muli %scan3A_31, %mul3A_32 : i32
      %add3A_34 = arith.constant 0 : i32
      %add3A_35 = arith.addi %add3A_34, %mul3A_33 : i32
      %mul3A_36 = arith.constant 128 : i32
      %mul3A_37 = arith.muli %add3A_35, %mul3A_36 : i32
      %dma_start3A = tpu.memref_slice %arg7[%mul3A_37] : memref<10240xi32, #tpu.memory_space<vmem>> -> memref<128xi32, #tpu.memory_space<vmem>>
      %dma_start3A_38 = arith.constant 0 : i32
      %dma_start3A_39 = arith.constant 0 : i32
      %dma_start3A_40 = tpu.memref_slice %arg2[%dma_start3A_38, %dma_start3A_39] : memref<10000x48xf32, #tpu.memory_space<hbm>> -> memref<10000x48xf32, #tpu.memory_space<hbm>>
      tpu.enqueue_indirect_dma source(%dma_start3A_40 : memref<10000x48xf32, #tpu.memory_space<hbm>>) target(%arg10 : memref<128x48xf32, #tpu.memory_space<vmem>>) offsets(%dma_start3A : memref<128xi32, #tpu.memory_space<vmem>>) semaphore(%arg13 : memref<!tpu.dma_semaphore, #tpu.memory_space<semaphore_mem>>)
      %dma_wait3A = tpu.memref_slice %arg7[%mul3A_37] : memref<10240xi32, #tpu.memory_space<vmem>> -> memref<128xi32, #tpu.memory_space<vmem>>
      %dma_wait3A_41 = arith.constant 0 : i32
      %dma_wait3A_42 = arith.constant 0 : i32
      %dma_wait3A_43 = tpu.memref_slice %arg2[%dma_wait3A_41, %dma_wait3A_42] : memref<10000x48xf32, #tpu.memory_space<hbm>> -> memref<10000x48xf32, #tpu.memory_space<hbm>>
      tpu.wait_indirect_dma semaphore(%arg13 : memref<!tpu.dma_semaphore, #tpu.memory_space<semaphore_mem>>) src(%dma_wait3A_43 : memref<10000x48xf32, #tpu.memory_space<hbm>>) dst(%arg10 : memref<128x48xf32, #tpu.memory_space<vmem>>)
      %scan3A_44 = arith.constant 0 : i32
      %scan3A_45 = arith.constant 128 : i32
      %scan3A_46 = arith.addi %scan3A_44, %scan3A_45 : i32
      %scan3A_47 = arith.constant 1 : i32
      scf.for %scan3A_49 = %scan3A_44 to %scan3A_46 step %scan3A_47  : i32 {
        %mul3A_50 = arith.constant 1 : i32
        %mul3A_51 = arith.muli %scan3A_49, %mul3A_50 : i32
        %add3A_52 = arith.constant 0 : i32
        %add3A_53 = arith.addi %add3A_52, %mul3A_51 : i32
        %add3A_54 = arith.addi %mul3A_37, %add3A_53 : i32
        %broadcast_in_dim3A_55 = vector.broadcast %add3A_54 : i32 to vector<16xi32>
        %gather3A = tpu.vector_load_idx %arg9[%broadcast_in_dim3A_55] : memref<10240xf32, #tpu.memory_space<vmem>>[vector<16xi32>], vector<16xf32>,
        %broadcast_in_dim3A_56 = vector.broadcast %add3A_53 : i32 to vector<16xi32>
        %add3A_57 = arith.constant 0 : i32
        %add3A_58 = vector.broadcast %add3A_57 : i32 to vector<16xi32>
        %add3A_59 = arith.addi %iota3A, %add3A_58 : vector<16xi32>
        %gather3A_60 = tpu.vector_load_idx %arg10[%broadcast_in_dim3A_56, %add3A_59] : memref<128x48xf32, #tpu.memory_space<vmem>>[vector<16xi32>, vector<16xi32>], vector<16xf32>,
        %mul3A_61 = arith.mulf %gather3A_60, %gather3A : vector<16xf32>
        tpu.vector_store_idx %arg10[%broadcast_in_dim3A_56, %add3A_59], %mul3A_61 : memref<128x48xf32, #tpu.memory_space<vmem>>[vector<16xi32>, vector<16xi32>], vector<16xf32>,
        %add3A_62 = arith.constant 16 : i32
        %add3A_63 = vector.broadcast %add3A_62 : i32 to vector<16xi32>
        %add3A_64 = arith.addi %iota3A, %add3A_63 : vector<16xi32>
        %gather3A_65 = tpu.vector_load_idx %arg10[%broadcast_in_dim3A_56, %add3A_64] : memref<128x48xf32, #tpu.memory_space<vmem>>[vector<16xi32>, vector<16xi32>], vector<16xf32>,
        %mul3A_66 = arith.mulf %gather3A_65, %gather3A : vector<16xf32>
        tpu.vector_store_idx %arg10[%broadcast_in_dim3A_56, %add3A_64], %mul3A_66 : memref<128x48xf32, #tpu.memory_space<vmem>>[vector<16xi32>, vector<16xi32>], vector<16xf32>,
        %add3A_67 = arith.constant 32 : i32
        %add3A_68 = vector.broadcast %add3A_67 : i32 to vector<16xi32>
        %add3A_69 = arith.addi %iota3A, %add3A_68 : vector<16xi32>
        %gather3A_70 = tpu.vector_load_idx %arg10[%broadcast_in_dim3A_56, %add3A_69] : memref<128x48xf32, #tpu.memory_space<vmem>>[vector<16xi32>, vector<16xi32>], vector<16xf32>,
        %mul3A_71 = arith.mulf %gather3A_70, %gather3A : vector<16xf32>
        tpu.vector_store_idx %arg10[%broadcast_in_dim3A_56, %add3A_69], %mul3A_71 : memref<128x48xf32, #tpu.memory_space<vmem>>[vector<16xi32>, vector<16xi32>], vector<16xf32>,
      }
      %scan3A_48 = arith.constant 128 : i32
      "tpu.region"() ({
        %run_scoped3A = tpu.sem_alloc : memref<!tpu.dma_semaphore, #tpu.memory_space<semaphore_mem>>
        %dma_start3A_49 = arith.constant 0 : i32
        %dma_start3A_50 = tpu.memref_slice %arg8[%add3A_35, %dma_start3A_49] : memref<80x128xi32, #tpu.memory_space<vmem>> -> memref<1x128xi32, #tpu.memory_space<vmem>>
        %dma_start3A_51 = tpu.memref_squeeze %dma_start3A_50 : memref<1x128xi32, #tpu.memory_space<vmem>> -> memref<128xi32, #tpu.memory_space<vmem>>
        %dma_start3A_52 = arith.constant 0 : i32
        %dma_start3A_53 = arith.constant 0 : i32
        %dma_start3A_54 = tpu.memref_slice %arg12[%dma_start3A_52, %dma_start3A_53] : memref<10000x48xf32, #tpu.memory_space<vmem_shared>> -> memref<10000x48xf32, #tpu.memory_space<vmem_shared>>
        tpu.enqueue_indirect_dma source(%arg10 : memref<128x48xf32, #tpu.memory_space<vmem>>) target(%dma_start3A_54 : memref<10000x48xf32, #tpu.memory_space<vmem_shared>>) offsets(%dma_start3A_51 : memref<128xi32, #tpu.memory_space<vmem>>) semaphore(%run_scoped3A : memref<!tpu.dma_semaphore, #tpu.memory_space<semaphore_mem>>) {add = true}
        %dma_wait3A_55 = arith.constant 0 : i32
        %dma_wait3A_56 = tpu.memref_slice %arg8[%add3A_35, %dma_wait3A_55] : memref<80x128xi32, #tpu.memory_space<vmem>> -> memref<1x128xi32, #tpu.memory_space<vmem>>
        %dma_wait3A_57 = tpu.memref_squeeze %dma_wait3A_56 : memref<1x128xi32, #tpu.memory_space<vmem>> -> memref<128xi32, #tpu.memory_space<vmem>>
        %dma_wait3A_58 = arith.constant 0 : i32
        %dma_wait3A_59 = arith.constant 0 : i32
        %dma_wait3A_60 = tpu.memref_slice %arg12[%dma_wait3A_58, %dma_wait3A_59] : memref<10000x48xf32, #tpu.memory_space<vmem_shared>> -> memref<10000x48xf32, #tpu.memory_space<vmem_shared>>
        tpu.wait_indirect_dma semaphore(%run_scoped3A : memref<!tpu.dma_semaphore, #tpu.memory_space<semaphore_mem>>) src(%arg10 : memref<128x48xf32, #tpu.memory_space<vmem>>) dst(%dma_wait3A_60 : memref<10000x48xf32, #tpu.memory_space<vmem_shared>>)
        tpu.yield
      }) : () -> ()
    }
    %scan3A_24 = arith.constant 80 : i32
    %barrier3A_25 = arith.constant 0 : index
    tpu.barrier barrier_id(%barrier3A_25)
    "tpu.region"() ({
      %run_scoped3A = tpu.sem_alloc : memref<!tpu.dma_semaphore, #tpu.memory_space<semaphore_mem>>
      %dma_start3A = arith.constant 0 : i32
      %dma_start3A_31 = arith.constant 0 : i32
      %dma_start3A_32 = tpu.memref_slice %arg6[%arg0, %dma_start3A, %dma_start3A_31] : memref<2x10000x48xf32, #tpu.memory_space<hbm>> -> memref<1x10000x48xf32, #tpu.memory_space<hbm>>
      %dma_start3A_33 = tpu.memref_squeeze %dma_start3A_32 : memref<1x10000x48xf32, #tpu.memory_space<hbm>> -> memref<10000x48xf32, #tpu.memory_space<hbm>>
      %dma_start3A_34 = arith.constant 0 : i32
      %dma_start3A_35 = tpu.memref_slice %dma_start3A_33[%mul3A_7, %dma_start3A_34] : memref<10000x48xf32, #tpu.memory_space<hbm>> -> memref<624x48xf32, #tpu.memory_space<hbm>>
      %dma_start3A_36 = arith.constant 0 : i32
      %dma_start3A_37 = tpu.memref_slice %arg12[%mul3A_7, %dma_start3A_36] : memref<10000x48xf32, #tpu.memory_space<vmem_shared>> -> memref<624x48xf32, #tpu.memory_space<vmem_shared>>
      tpu.enqueue_dma source(%dma_start3A_37 : memref<624x48xf32, #tpu.memory_space<vmem_shared>>) target(%dma_start3A_35 : memref<624x48xf32, #tpu.memory_space<hbm>>) target_semaphore(%run_scoped3A : memref<!tpu.dma_semaphore, #tpu.memory_space<semaphore_mem>>)
      %dma_wait3A = arith.constant 0 : i32
      %dma_wait3A_38 = arith.constant 0 : i32
      %dma_wait3A_39 = tpu.memref_slice %arg6[%arg0, %dma_wait3A, %dma_wait3A_38] : memref<2x10000x48xf32, #tpu.memory_space<hbm>> -> memref<1x10000x48xf32, #tpu.memory_space<hbm>>
      %dma_wait3A_40 = tpu.memref_squeeze %dma_wait3A_39 : memref<1x10000x48xf32, #tpu.memory_space<hbm>> -> memref<10000x48xf32, #tpu.memory_space<hbm>>
      %dma_wait3A_41 = arith.constant 0 : i32
      %dma_wait3A_42 = tpu.memref_slice %dma_wait3A_40[%mul3A_7, %dma_wait3A_41] : memref<10000x48xf32, #tpu.memory_space<hbm>> -> memref<624x48xf32, #tpu.memory_space<hbm>>
      %dma_wait3A_43 = arith.constant 0 : i32
      %dma_wait3A_44 = tpu.memref_slice %arg12[%mul3A_7, %dma_wait3A_43] : memref<10000x48xf32, #tpu.memory_space<vmem_shared>> -> memref<624x48xf32, #tpu.memory_space<vmem_shared>>
      tpu.wait_dma2 semaphore(%run_scoped3A : memref<!tpu.dma_semaphore, #tpu.memory_space<semaphore_mem>>) src(%dma_wait3A_44 : memref<624x48xf32, #tpu.memory_space<vmem_shared>>) dst(%dma_wait3A_42 : memref<624x48xf32, #tpu.memory_space<hbm>>)
      tpu.yield
    }) : () -> ()
    %eq3A_26 = arith.constant 15 : i32
    %eq3A_27 = arith.cmpi eq, %arg1, %eq3A_26 : i32
    %convert_element_type3A_28 = arith.extui %eq3A_27 : i1 to i32
    %cond3A_29 = arith.constant 0 : i32
    %cond3A_30 = arith.cmpi ne, %convert_element_type3A_28, %cond3A_29 : i32
    scf.if %cond3A_30 {
      "tpu.region"() ({
        %run_scoped3A = tpu.sem_alloc : memref<!tpu.dma_semaphore, #tpu.memory_space<semaphore_mem>>
        %dma_start3A = arith.constant 0 : i32
        %dma_start3A_31 = arith.constant 0 : i32
        %dma_start3A_32 = tpu.memref_slice %arg6[%arg0, %dma_start3A, %dma_start3A_31] : memref<2x10000x48xf32, #tpu.memory_space<hbm>> -> memref<1x10000x48xf32, #tpu.memory_space<hbm>>
        %dma_start3A_33 = tpu.memref_squeeze %dma_start3A_32 : memref<1x10000x48xf32, #tpu.memory_space<hbm>> -> memref<10000x48xf32, #tpu.memory_space<hbm>>
        %dma_start3A_34 = arith.constant 9984 : i32
        %dma_start3A_35 = arith.constant 0 : i32
        %dma_start3A_36 = tpu.memref_slice %dma_start3A_33[%dma_start3A_34, %dma_start3A_35] : memref<10000x48xf32, #tpu.memory_space<hbm>> -> memref<16x48xf32, #tpu.memory_space<hbm>>
        %dma_start3A_37 = arith.constant 9984 : i32
        %dma_start3A_38 = arith.constant 0 : i32
        %dma_start3A_39 = tpu.memref_slice %arg12[%dma_start3A_37, %dma_start3A_38] : memref<10000x48xf32, #tpu.memory_space<vmem_shared>> -> memref<16x48xf32, #tpu.memory_space<vmem_shared>>
        tpu.enqueue_dma source(%dma_start3A_39 : memref<16x48xf32, #tpu.memory_space<vmem_shared>>) target(%dma_start3A_36 : memref<16x48xf32, #tpu.memory_space<hbm>>) target_semaphore(%run_scoped3A : memref<!tpu.dma_semaphore, #tpu.memory_space<semaphore_mem>>)
        %dma_wait3A = arith.constant 0 : i32
        %dma_wait3A_40 = arith.constant 0 : i32
        %dma_wait3A_41 = tpu.memref_slice %arg6[%arg0, %dma_wait3A, %dma_wait3A_40] : memref<2x10000x48xf32, #tpu.memory_space<hbm>> -> memref<1x10000x48xf32, #tpu.memory_space<hbm>>
        %dma_wait3A_42 = tpu.memref_squeeze %dma_wait3A_41 : memref<1x10000x48xf32, #tpu.memory_space<hbm>> -> memref<10000x48xf32, #tpu.memory_space<hbm>>
        %dma_wait3A_43 = arith.constant 9984 : i32
        %dma_wait3A_44 = arith.constant 0 : i32
        %dma_wait3A_45 = tpu.memref_slice %dma_wait3A_42[%dma_wait3A_43, %dma_wait3A_44] : memref<10000x48xf32, #tpu.memory_space<hbm>> -> memref<16x48xf32, #tpu.memory_space<hbm>>
        %dma_wait3A_46 = arith.constant 9984 : i32
        %dma_wait3A_47 = arith.constant 0 : i32
        %dma_wait3A_48 = tpu.memref_slice %arg12[%dma_wait3A_46, %dma_wait3A_47] : memref<10000x48xf32, #tpu.memory_space<vmem_shared>> -> memref<16x48xf32, #tpu.memory_space<vmem_shared>>
        tpu.wait_dma2 semaphore(%run_scoped3A : memref<!tpu.dma_semaphore, #tpu.memory_space<semaphore_mem>>) src(%dma_wait3A_48 : memref<16x48xf32, #tpu.memory_space<vmem_shared>>) dst(%dma_wait3A_45 : memref<16x48xf32, #tpu.memory_space<hbm>>)
        tpu.yield
      }) : () -> ()
    } else {
    }
    return
  }
}

module attributes {stable_mosaic.version = 14 : i64} {
  func.func @_mm_bias_kernel(%arg0: i32, %arg1: memref<1000x128xf32, #tpu.memory_space<vmem>>, %arg2: memref<128x112xf32, #tpu.memory_space<vmem>>, %arg3: memref<1x112xf32, #tpu.memory_space<vmem>>, %arg4: memref<1000x112xf32, #tpu.memory_space<vmem>>) attributes {dimension_semantics = [#tpu.dimension_semantics<arbitrary>], iteration_bounds = array<i64: 10>, scalar_prefetch = 0 : i64, scratch_operands = 0 : i64, tpu.core_type = #tpu.core_type<tc>, window_params = [{transform_indices = @transform_0, window_bounds = array<i64: 1000, 128>}, {pipeline_mode = #tpu.pipeline_mode<synchronous>, transform_indices = @transform_1, window_bounds = array<i64: 128, 112>}, {pipeline_mode = #tpu.pipeline_mode<synchronous>, transform_indices = @transform_2, window_bounds = array<i64: 1, 112>}, {transform_indices = @transform_3, window_bounds = array<i64: 1000, 112>}]} {
    %get3A = arith.constant 0 : index
    %get3A_0 = arith.constant 0 : index
    %get3A_1 = vector.load %arg1[%get3A, %get3A_0] : memref<1000x128xf32, #tpu.memory_space<vmem>>, vector<1000x128xf32>
    %get3A_2 = arith.constant 0 : index
    %get3A_3 = arith.constant 0 : index
    %get3A_4 = vector.load %arg2[%get3A_2, %get3A_3] : memref<128x112xf32, #tpu.memory_space<vmem>>, vector<128x112xf32>
    %dot_general3A = arith.constant dense<0.000000e+00> : vector<1000x112xf32>
    %dot_general3A_5 = tpu.matmul %get3A_1, %get3A_4, %dot_general3A {dimension_numbers = #tpu.dot_dimension_numbers<[1], [0], [0], [1], [0, 0, 1, 1], [], []>, precision = #tpu.contract_precision<fp32>, transpose_lhs_hint = false} : vector<1000x128xf32>, vector<128x112xf32>, vector<1000x112xf32> -> vector<1000x112xf32>
    %get3A_6 = arith.constant 0 : index
    %get3A_7 = arith.constant 0 : index
    %get3A_8 = vector.load %arg3[%get3A_6, %get3A_7] : memref<1x112xf32, #tpu.memory_space<vmem>>, vector<1x112xf32>
    %add3A = vector.broadcast %get3A_8 : vector<1x112xf32> to vector<1000x112xf32>
    %add3A_9 = arith.addf %dot_general3A_5, %add3A : vector<1000x112xf32>
    %swap3A = arith.constant 0 : index
    %swap3A_10 = arith.constant 0 : index
    %swap3A_11 = vector.load %arg4[%swap3A, %swap3A_10] : memref<1000x112xf32, #tpu.memory_space<vmem>>, vector<1000x112xf32>
    tpu.vector_store %arg4[%swap3A, %swap3A_10], %add3A_9 {strides = array<i32>} : memref<1000x112xf32, #tpu.memory_space<vmem>>, vector<1000x112xf32>,
    return
  }
  func.func @transform_0(%arg0: i32) -> (i32, i32) {
    %c0_i32 = arith.constant 0 : i32
    %c0_i32_0 = arith.constant 0 : i32
    return %arg0, %c0_i32 : i32, i32
  }
  func.func @transform_1(%arg0: i32) -> (i32, i32) {
    %c0_i32 = arith.constant 0 : i32
    %c0_i32_0 = arith.constant 0 : i32
    %c0_i32_1 = arith.constant 0 : i32
    return %c0_i32, %c0_i32_0 : i32, i32
  }
  func.func @transform_2(%arg0: i32) -> (i32, i32) {
    %c0_i32 = arith.constant 0 : i32
    %c0_i32_0 = arith.constant 0 : i32
    %c0_i32_1 = arith.constant 0 : i32
    return %c0_i32, %c0_i32_0 : i32, i32
  }
  func.func @transform_3(%arg0: i32) -> (i32, i32) {
    %c0_i32 = arith.constant 0 : i32
    %c0_i32_0 = arith.constant 0 : i32
    return %arg0, %c0_i32 : i32, i32
  }
}

module attributes {stable_mosaic.version = 14 : i64} {
  func.func @_relu_mm_bias_kernel(%arg0: i32, %arg1: memref<2x1000x112xf32, #tpu.memory_space<vmem>>, %arg2: memref<112x48xf32, #tpu.memory_space<vmem>>, %arg3: memref<1x48xf32, #tpu.memory_space<vmem>>, %arg4: memref<1000x48xf32, #tpu.memory_space<vmem>>) attributes {dimension_semantics = [#tpu.dimension_semantics<arbitrary>], iteration_bounds = array<i64: 10>, scalar_prefetch = 0 : i64, scratch_operands = 0 : i64, tpu.core_type = #tpu.core_type<tc>, window_params = [{transform_indices = @transform_0, window_bounds = array<i64: 2, 1000, 112>}, {pipeline_mode = #tpu.pipeline_mode<synchronous>, transform_indices = @transform_1, window_bounds = array<i64: 112, 48>}, {pipeline_mode = #tpu.pipeline_mode<synchronous>, transform_indices = @transform_2, window_bounds = array<i64: 1, 48>}, {transform_indices = @transform_3, window_bounds = array<i64: 1000, 48>}]} {
    %get3A = arith.constant 0 : index
    %get3A_0 = arith.constant 0 : index
    %get3A_1 = arith.constant 0 : index
    %get3A_2 = vector.load %arg1[%get3A, %get3A_0, %get3A_1] : memref<2x1000x112xf32, #tpu.memory_space<vmem>>, vector<1x1000x112xf32>
    %get3A_3 = vector.shape_cast %get3A_2 : vector<1x1000x112xf32> to vector<1000x112xf32>
    %get3A_4 = arith.constant 1 : index
    %get3A_5 = arith.constant 0 : index
    %get3A_6 = arith.constant 0 : index
    %get3A_7 = vector.load %arg1[%get3A_4, %get3A_5, %get3A_6] : memref<2x1000x112xf32, #tpu.memory_space<vmem>>, vector<1x1000x112xf32>
    %get3A_8 = vector.shape_cast %get3A_7 : vector<1x1000x112xf32> to vector<1000x112xf32>
    %add3A = arith.addf %get3A_3, %get3A_8 : vector<1000x112xf32>
    %max3A = arith.constant 0.000000e+00 : f32
    %max3A_9 = vector.broadcast %max3A : f32 to vector<1000x112xf32>
    %max3A_10 = arith.maximumf %add3A, %max3A_9 : vector<1000x112xf32>
    %get3A_11 = arith.constant 0 : index
    %get3A_12 = arith.constant 0 : index
    %get3A_13 = vector.load %arg2[%get3A_11, %get3A_12] : memref<112x48xf32, #tpu.memory_space<vmem>>, vector<112x48xf32>
    %dot_general3A = arith.constant dense<0.000000e+00> : vector<1000x48xf32>
    %dot_general3A_14 = tpu.matmul %max3A_10, %get3A_13, %dot_general3A {dimension_numbers = #tpu.dot_dimension_numbers<[1], [0], [0], [1], [0, 0, 1, 1], [], []>, precision = #tpu.contract_precision<fp32>, transpose_lhs_hint = false} : vector<1000x112xf32>, vector<112x48xf32>, vector<1000x48xf32> -> vector<1000x48xf32>
    %get3A_15 = arith.constant 0 : index
    %get3A_16 = arith.constant 0 : index
    %get3A_17 = vector.load %arg3[%get3A_15, %get3A_16] : memref<1x48xf32, #tpu.memory_space<vmem>>, vector<1x48xf32>
    %add3A_18 = vector.broadcast %get3A_17 : vector<1x48xf32> to vector<1000x48xf32>
    %add3A_19 = arith.addf %dot_general3A_14, %add3A_18 : vector<1000x48xf32>
    %swap3A = arith.constant 0 : index
    %swap3A_20 = arith.constant 0 : index
    %swap3A_21 = vector.load %arg4[%swap3A, %swap3A_20] : memref<1000x48xf32, #tpu.memory_space<vmem>>, vector<1000x48xf32>
    tpu.vector_store %arg4[%swap3A, %swap3A_20], %add3A_19 {strides = array<i32>} : memref<1000x48xf32, #tpu.memory_space<vmem>>, vector<1000x48xf32>,
    return
  }
  func.func @transform_0(%arg0: i32) -> (i32, i32, i32) {
    %c0_i32 = arith.constant 0 : i32
    %c0_i32_0 = arith.constant 0 : i32
    %c0_i32_1 = arith.constant 0 : i32
    return %c0_i32, %arg0, %c0_i32_0 : i32, i32, i32
  }
  func.func @transform_1(%arg0: i32) -> (i32, i32) {
    %c0_i32 = arith.constant 0 : i32
    %c0_i32_0 = arith.constant 0 : i32
    %c0_i32_1 = arith.constant 0 : i32
    return %c0_i32, %c0_i32_0 : i32, i32
  }
  func.func @transform_2(%arg0: i32) -> (i32, i32) {
    %c0_i32 = arith.constant 0 : i32
    %c0_i32_0 = arith.constant 0 : i32
    %c0_i32_1 = arith.constant 0 : i32
    return %c0_i32, %c0_i32_0 : i32, i32
  }
  func.func @transform_3(%arg0: i32) -> (i32, i32) {
    %c0_i32 = arith.constant 0 : i32
    %c0_i32_0 = arith.constant 0 : i32
    return %arg0, %c0_i32 : i32, i32
  }
}

module attributes {stable_mosaic.version = 14 : i64} {
  func.func @_logsoftmax_kernel(%arg0: i32, %arg1: memref<2x1000x48xf32, #tpu.memory_space<vmem>>, %arg2: memref<1000x40xf32, #tpu.memory_space<vmem>>) attributes {dimension_semantics = [#tpu.dimension_semantics<arbitrary>], iteration_bounds = array<i64: 10>, scalar_prefetch = 0 : i64, scratch_operands = 0 : i64, tpu.core_type = #tpu.core_type<tc>, window_params = [{transform_indices = @transform_0, window_bounds = array<i64: 2, 1000, 48>}, {transform_indices = @transform_1, window_bounds = array<i64: 1000, 40>}]} {
    %get3A = arith.constant 0 : index
    %get3A_0 = arith.constant 0 : index
    %get3A_1 = arith.constant 0 : index
    %get3A_2 = vector.load %arg1[%get3A, %get3A_0, %get3A_1] : memref<2x1000x48xf32, #tpu.memory_space<vmem>>, vector<1x1000x48xf32>
    %get3A_3 = vector.shape_cast %get3A_2 : vector<1x1000x48xf32> to vector<1000x48xf32>
    %get3A_4 = arith.constant 1 : index
    %get3A_5 = arith.constant 0 : index
    %get3A_6 = arith.constant 0 : index
    %get3A_7 = vector.load %arg1[%get3A_4, %get3A_5, %get3A_6] : memref<2x1000x48xf32, #tpu.memory_space<vmem>>, vector<1x1000x48xf32>
    %get3A_8 = vector.shape_cast %get3A_7 : vector<1x1000x48xf32> to vector<1000x48xf32>
    %add3A = arith.addf %get3A_3, %get3A_8 : vector<1000x48xf32>
    %slice3A = vector.extract_strided_slice %add3A {offsets = [0, 0], sizes = [1000, 40], strides = [1, 1]} : vector<1000x48xf32> to vector<1000x40xf32>
    %reduce_max3A = arith.constant dense<0xFF800000> : vector<1000xf32>
    %reduce_max3A_9 = vector.multi_reduction <maximumf>, %slice3A, %reduce_max3A [1] : vector<1000x40xf32> to vector<1000xf32>
    %broadcast_in_dim3A = vector.shape_cast %reduce_max3A_9 : vector<1000xf32> to vector<1000x1xf32>
    %sub3A = vector.broadcast %broadcast_in_dim3A : vector<1000x1xf32> to vector<1000x40xf32>
    %sub3A_10 = arith.subf %slice3A, %sub3A : vector<1000x40xf32>
    %exp3A = math.exp %sub3A_10 : vector<1000x40xf32>
    %reduce_sum3A = arith.constant dense<0.000000e+00> : vector<1000xf32>
    %reduce_sum3A_11 = vector.multi_reduction <add>, %exp3A, %reduce_sum3A [1] : vector<1000x40xf32> to vector<1000xf32>
    %broadcast_in_dim3A_12 = vector.shape_cast %reduce_sum3A_11 : vector<1000xf32> to vector<1000x1xf32>
    %log3A = math.log %broadcast_in_dim3A_12 : vector<1000x1xf32>
    %sub3A_13 = vector.broadcast %broadcast_in_dim3A : vector<1000x1xf32> to vector<1000x40xf32>
    %sub3A_14 = arith.subf %slice3A, %sub3A_13 : vector<1000x40xf32>
    %sub3A_15 = vector.broadcast %log3A : vector<1000x1xf32> to vector<1000x40xf32>
    %sub3A_16 = arith.subf %sub3A_14, %sub3A_15 : vector<1000x40xf32>
    %swap3A = arith.constant 0 : index
    %swap3A_17 = arith.constant 0 : index
    %swap3A_18 = vector.load %arg2[%swap3A, %swap3A_17] : memref<1000x40xf32, #tpu.memory_space<vmem>>, vector<1000x40xf32>
    tpu.vector_store %arg2[%swap3A, %swap3A_17], %sub3A_16 {strides = array<i32>} : memref<1000x40xf32, #tpu.memory_space<vmem>>, vector<1000x40xf32>,
    return
  }
  func.func @transform_0(%arg0: i32) -> (i32, i32, i32) {
    %c0_i32 = arith.constant 0 : i32
    %c0_i32_0 = arith.constant 0 : i32
    %c0_i32_1 = arith.constant 0 : i32
    return %c0_i32, %arg0, %c0_i32_0 : i32, i32, i32
  }
  func.func @transform_1(%arg0: i32) -> (i32, i32) {
    %c0_i32 = arith.constant 0 : i32
    %c0_i32_0 = arith.constant 0 : i32
    return %arg0, %c0_i32 : i32, i32
  }
}

</mosaic_0001>

<sc_bundles>
// kernel: kernel.10.cloned.1.call-start
scs
__scs_entry_jumppad:
0x0: {  	(pc) =	sbr.rel $0x88, $3  }
0x1: {  	(tag) =	ssettag $0x0;
	lr =	simm.s32 $0x1  }
0x2: {  	[smem:$0x3F9A] =	sst lr;
	_ =	strace $0xD0000000  }
0x3: {  	_ = 	snop  }
0x4: {  	_ = 	snop  }
0x5: {  	_ = 	snop  }
0x6: {  	_ = 	snop  }
0x7: {  	_ = 	snop  }
__scs_overlays_trampoline_lowered:
0x8: {  	[smem:$0x3FA9] =	sst s0  }
0x9: {  	[smem:$0x3FAA] =	sst s1  }
0xa: {  	[smem:$0x3FAB] =	sst s2  }
0xb: {  	[smem:$0x3FAC] =	sst s3  }
0xc: {  	[smem:$0x3FAD] =	sst s4  }
0xd: {  	[smem:$0x3FAE] =	sst s5  }
0xe: {  	[smem:$0x3FAF] =	sst s6  }
0xf: {  	[smem:$0x3FB0] =	sst s7  }
0x10: {  	[smem:$0x3FB1] =	sst s8  }
0x11: {  	[smem:$0x3FB2] =	sst s9;
	s0 =	simm.s32 @!p0 $0x0  }
0x12: {  	s1 =	sld [smem:$0x3F98];
	s0 =	simm.s32 @p0 $0x1  }
0x13: {  	[smem:$0x3FB3] =	sst s0;
	s0 =	simm.s32 @!p1 $0x0  }
0x14: {  	s2 =	sld [smem:$0x3F97];
	s0 =	simm.s32 @p1 $0x1  }
0x15: {  	[smem:$0x3FB4] =	sst s0;
	s0 =	simm.s32 @!p2 $0x0  }
0x16: {  	s3 =	sld [smem:$0x3FDB];
	s0 =	simm.s32 @p2 $0x1  }
0x17: {  	s4 =	simm.s32 $0x1BF5;
	[smem:$0x3FB6] =	sst s0  }
0x18: {  	s0 =	sld [smem:$0x3F99];
	_ =	swait.ge [sflag:s4], $0x0  }
0x19: {  	s7 =	sld [smem:$0x3F9A]  }
0x1a: {  	s8 =	sadd.s32 $0xFFFFE003, lr  }
0x1b: {  	s9 =	sadd.s32 $0xFFFFFEF7, lr;
	s5 =	simm.s32 $0xFFFFFFFF;
	p2 =	slt.u32 s8, $0xFFFFF086  }
0x1c: {  	p1 =	slt.u32 s9, $0xF7A;
	s5 =	simm.s32 @!p2 $0x0  }
0x1d: {  	s5 =	simm.s32 @p1 $0x1;
	p0 =	seq.s32 s7, s2  }
0x1e: {  	s7 =	smul.u32 @!p0 $0xF7A, s2;
	p2 =	seq.s32 @!p0 s5, $0x0  }
0x1f: {  	s9 =	smul.u32 $0xF7A, s1;
	s8 =	simm.s32 @!p0 $0x1BF5;
	p2 =	por !p2, p0  }
0x20: {  	[sflag:s8] =	ssyncset.s32 @!p0 $0xFFFFF086;
	s6 =	sadd.s32 @!p0 s3, s7;
	s7 =	simm.s32 @!p0 $0x108  }
0x21: {  	s3 =	sadd.s32 s3, s9;
	s6 =	sadd.s32 @!p0 $0x88, s6;
	s7 =	simm.s32 @p2 $0x1082  }
0x22: {  	[simem:s7], [sflag:s8] =	dma.local @!p0 [hbm:s6], $0xF7A  }
0x23: {  	s9 =	sor.u32 $0xD0000000, s2;
	s6 =	simm.s32 $0x108;
	_ =	swait.ge @!p0 [sflag:s8], $0x0  }
0x24: {  	s3 =	sadd.s32 $0x88, s3;
	s6 =	simm.s32 @!p1 $0x1082;
	[sflag:s4] =	ssyncset.s32 $0xFFFFF086  }
0x25: {  	[simem:s6], [sflag:s4] =	dma.local [hbm:s3], $0xF7A  }
0x26: {  	[smem:$0x3F9A] =	sst s1;
	(tag) =	ssettag s2;
	_ =	strace s9  }
0x27: {  	s1 =	sld [smem:$0x3FAA]  }
0x28: {  	s2 =	sld [smem:$0x3FAB]  }
0x29: {  	s4 =	sld [smem:$0x3FAD]  }
0x2a: {  	p0 =	seq.s32 s5, $0x0;
	s5 =	sld [smem:$0x3FAE]  }
0x2b: {  	s6 =	sld [smem:$0x3FAF]  }
0x2c: {  	s7 =	sld [smem:$0x3FB0]  }
0x2d: {  	s3 =	simm.s32 $0x108;
	s8 =	sld [smem:$0x3FB1]  }
0x2e: {  	s3 =	simm.s32 @!p0 $0x1082;
	s9 =	sld [smem:$0x3FB2]  }
0x2f: {  	lr =	sadd.s32 s0, s3;
	s0 =	sld [smem:$0x3FA9]  }
0x30: {  	s3 =	sld [smem:$0x3FAC]  }
0x31: {  	[smem:$0x3FB5] =	sst s10  }
0x32: {  	s10 =	sld [smem:$0x3FB3];
	_ =	sdelay $0x3  }
0x33: {  	p0 =	seq.s32 s10, $0x1;
	s10 =	sld [smem:$0x3FB5];
	_ =	sdelay $0x3  }
0x34: {  	[smem:$0x3FB5] =	sst s10  }
0x35: {  	s10 =	sld [smem:$0x3FB4];
	_ =	sdelay $0x3  }
0x36: {  	p1 =	seq.s32 s10, $0x1;
	s10 =	sld [smem:$0x3FB5];
	_ =	sdelay $0x3  }
0x37: {  	[smem:$0x3FB5] =	sst s10  }
0x38: {  	s10 =	sld [smem:$0x3FB6]  }
0x39: {  	_ = 	snop;
	(pc) =	sbr.ind lr, $3  }
0x3a: {  	_ = 	snop  }
0x3b: {  	_ = 	snop  }
0x3c: {  	p2 =	seq.s32 s10, $0x1;
	s10 =	sld [smem:$0x3FB5]  }
0x3d: {  	_ =	shalt  }
0x3e: {  	_ =	shalt  }
0x3f: {  	_ =	shalt  }
0x40: {  	_ =	shalt  }
0x41: {  	_ =	shalt  }
0x42: {  	_ =	shalt  }
0x43: {  	_ =	shalt  }
0x44: {  	_ =	shalt  }
0x45: {  	_ =	shalt  }
0x46: {  	_ =	shalt  }
0x47: {  	_ =	shalt  }
0x48: {  	_ =	shalt  }
0x49: {  	_ =	shalt  }
0x4a: {  	_ =	shalt  }
0x4b: {  	_ =	shalt  }
0x4c: {  	_ =	shalt  }
0x4d: {  	_ =	shalt  }
0x4e: {  	_ =	shalt  }
0x4f: {  	_ =	shalt  }
0x50: {  	_ =	shalt  }
0x51: {  	_ =	shalt  }
0x52: {  	_ =	shalt  }
0x53: {  	_ =	shalt  }
0x54: {  	_ =	shalt  }
0x55: {  	_ =	shalt  }
0x56: {  	_ =	shalt  }
0x57: {  	_ =	shalt  }
0x58: {  	_ =	shalt  }
0x59: {  	_ =	shalt  }
0x5a: {  	_ =	shalt  }
0x5b: {  	_ =	shalt  }
0x5c: {  	_ =	shalt  }
0x5d: {  	_ =	shalt  }
0x5e: {  	_ =	shalt  }
0x5f: {  	_ =	shalt  }
0x60: {  	_ =	shalt  }
0x61: {  	_ =	shalt  }
0x62: {  	_ =	shalt  }
0x63: {  	_ =	shalt  }
0x64: {  	_ =	shalt  }
0x65: {  	_ =	shalt  }
0x66: {  	_ =	shalt  }
0x67: {  	_ =	shalt  }
0x68: {  	_ =	shalt  }
0x69: {  	_ =	shalt  }
0x6a: {  	_ =	shalt  }
0x6b: {  	_ =	shalt  }
0x6c: {  	_ =	shalt  }
0x6d: {  	_ =	shalt  }
0x6e: {  	_ =	shalt  }
0x6f: {  	_ =	shalt  }
0x70: {  	_ =	shalt  }
0x71: {  	_ =	shalt  }
0x72: {  	_ =	shalt  }
0x73: {  	_ =	shalt  }
0x74: {  	_ =	shalt  }
0x75: {  	_ =	shalt  }
0x76: {  	_ =	shalt  }
0x77: {  	_ =	shalt  }
0x78: {  	_ =	shalt  }
0x79: {  	_ =	shalt  }
0x7a: {  	_ =	shalt  }
0x7b: {  	_ =	shalt  }
0x7c: {  	_ =	shalt  }
0x7d: {  	_ =	shalt  }
0x7e: {  	_ =	shalt  }
0x7f: {  	_ =	shalt  }
0x80: {  	_ =	shalt  }
0x81: {  	_ =	shalt  }
0x82: {  	_ =	shalt  }
0x83: {  	_ =	shalt  }
0x84: {  	_ =	shalt  }
0x85: {  	_ =	shalt  }
0x86: {  	_ =	shalt  }
0x87: {  	_ =	shalt  }
.Lfunc_end0:
.L_simem_size_0:
called_computation.1_lowered:
.L_overlay_start_0:
0x88: {  	s2 =	sld [smem:$0x3FD9]  }
0x89: {  	s3 =	sld [smem:$0x3FFE];
	_ =	sdelay $0x1  }
0x8a: {  	s1 =	srdreg.scid  }
0x8b: {  	s0 =	sand.u32 $0x1, s1  }
0x8c: {  	s17 =	sshll.u32 s0, $0xA;
	s2 =	sadd.s32 s3, s2  }
0x8d: {  	s2 =	sadd.s32 s2, s17  }
0x8e: {  	[smem:$0x3FC1] =	sst s2  }
0x8f: {  	_ = 	snop  }
0x90: {  	s2 =	sld [smem:$0x3FD0];
	(tm) =	ssettm $0x1  }
0x91: {  	s18 =	sld [smem:$0x3FFB];
	_ =	sdelay $0x3  }
0x92: {  	_ =	strace s18  }
0x93: {  	s3 =	sld [smem:$0x3FFC];
	_ =	sdelay $0x3  }
0x94: {  	_ =	strace s3  }
0x95: {  	s3 =	sld [smem:$0x3FFD];
	_ =	sdelay $0x3  }
0x96: {  	_ =	strace s3  }
0x97: {  	_ =	strace $0x8FFFFFFF  }
0x98: {  	s19 =	sld [smem:$0x3FDB];
	_ =	sdelay $0x1  }
0x99: {  	s4 =	simm.s32 $_scs_section_size  }
0x9a: {  	s5 =	simm.s32 $_size__tile_overlayer_lowered;
	s6 =	simm.s32 $_tile_overlayer_lowered  }
0x9b: {  	s22 =	simm.s32 $0x1BFF;
	s21 =	sshll.u32 s6, $0x1;
	s3 =	sadd.s32 s4, s19  }
0x9c: {  	s7 =	simm.s32 $0x0;
	s20 =	sshll.u32 s5, $0x1;
	s5 =	sadd.s32 s21, s3  }
0x9d: {  	[timem:s7], [sflag:s22] =	dma.local [hbm:s5], s20  }
0x9e: {  	_ =	swait.ge [sflag:s22], s20  }
0x9f: {  	s4 =	ssub.s32 $0x0, s20;
	[sflag:s22] =	ssyncset.done $0x0  }
0xa0: {  	[sflag:s22] =	ssyncadd.s32 s4;
	_ =	sdelay $0x1  }
0xa1: {  	s23 =	simm.s32 $0x1B8B  }
0xa2: {  	_ =	swait.ge [sflag:s23], $0x1  }
0xa3: {  	[sflag:s23] =	ssyncset.done $0x0  }
0xa4: {  	s25 =	simm.s32 $0x1B8E;
	s24 =	sld [smem:$0x3FFE];
	[sflag:s23] =	ssyncadd.s32 $0xFFFFFFFF  }
0xa5: {  	s26 =	simm.s32 $execute0_lowered;
	[smem:$0x3FD2] =	sst s25  }
0xa6: {  	s5 =	sshll.u32 s26, $0x1;
	_ =	strace $0x80000049;
	[dreg:$0x1] =	wrdreg $0xFFFFFFFF  }
0xa7: {  	s28 =	simm.s32 $_size_execute0_lowered;
	s3 =	sadd.s32 s3, s5;
	[dreg:$0x0] =	wrdreg $0x0  }
0xa8: {  	s5 =	sshll.u32 s28, $0x1;
	[dreg:$0x2] =	wrdreg s3  }
0xa9: {  	[dreg:$0x3] =	wrdreg s5  }
0xaa: {  	[dreg:$0x4] =	wrdreg $0xC0  }
0xab: {  	_ =	task [dreg:s7], $0x5FFFF  }
0xac: {  	[dreg:$0x1] =	wrdreg $0xFFFFFFFF  }
0xad: {  	[dreg:$0x0] =	wrdreg $0x60  }
0xae: {  	[dreg:$0x2] =	wrdreg s24  }
0xaf: {  	[dreg:$0x3] =	wrdreg s2  }
0xb0: {  	[dreg:$0x4] =	wrdreg $0xA8000  }
0xb1: {  	[dreg:$0x5] =	wrdreg $0x9  }
0xb2: {  	_ =	task.clear_ibuf [dreg:s7], $0x6FFFF;
	_ =	strace $0x90000049  }
0xb3: {  	s29 =	simm.s32 $0x9;
	_ =	strace $0x8000004B  }
0xb4: {  	_ =	swait.ge [sflag:s29], $0x1  }
0xb5: {  	[sflag:s29] =	ssyncadd.s32 $0xFFFFFFFF  }
0xb6: {  	_ =	strace $0x9000004B  }
0xb7: {  	_ =	sfence  }
0xb8: {  	s30 =	sld [smem:$0x0];
	_ =	sdelay $0x2  }
0xb9: {  	s31 =	sshll.u32 s1, $0xD;
	s1 =	sshrl.u32 s1, $0x2  }
0xba: {  	s3 =	sand.u32 $0x4000, s31;
	s1 =	sadd.s32 s1, s30  }
0xbb: {  	s0 =	sor.u32 s3, s0;
	s1 =	sshll.u32 s1, $0x11  }
0xbc: {  	s0 =	sor.u32 s1, s0  }
0xbd: {  	s0 =	sadd.s32 $0x8F2B, s0  }
0xbe: {  	[sflag:s0] =	ssyncadd.remote.s32 $0x1  }
0xbf: {  	_ =	sfence.sel $0xFFFF  }
0xc0: {  	[dreg:$0x0] =	wrdreg $0xFFFFFFFF;
	(pc) =	sbr.abs _section_cstart, $3  }
0xc1: {  	[dreg:$0x1] =	wrdreg $0xFFFFFFFF  }
0xc2: {  	_ =	task.clear_ibuf [dreg:s7], $0x2FFFF;
	_ =	strace $0x9FFFFFFF  }
0xc3: {  	(tm) =	ssettm $0x7FFFFFFF  }
tec
execute0_lowered:
.L_overlay_start_1:
0x0: {  	(tag) =	ssettag $0x1  }
0x1: {  	s0 =	rddreg [dreg:$0x0]  }
0x2: {  	s1 =	srdreg.scid;
	s6 =	rddreg [dreg:$0x1]  }
0x3: {  	s3 =	rddreg [dreg:$0x2];
	s2 =	stileid.u32;
	s4 =	simm.s32 $0x0  }
0x4: {  	s17 =	simm.s32 $0x2800;
	s18 =	simm.s32 $0x5000;
	s19 =	simm.s32 $0x9000  }
0x5: {  	s20 =	simm.s32 $0x80;
	s21 =	simm.s32 $0x7800;
	s22 =	simm.s32 $0x1  }
0x6: {  	s5 =	sand.u32 $0x1, s1;
	s1 =	rddreg [dreg:$0x3];
	s11 =	smul.u32 $0x1D400, s2  }
0x7: {  	s24 =	simm.s32 $0x0;
	[smem:$0x7FF] =	sst s4;
	s16 =	smul.u32 $0x7500, s2  }
0x8: {  	s13 =	sadd.s32 $0x75000, s3;
	p0 =	sne.s32 s2, $0xF;
	s7 =	sshll.u32 s5, $0x4  }
0x9: {  	_ =	strace $0x8000004A;
	s8 =	smul.u32 $0xEA60, s5;
	s5 =	ssub.s32 $0x2, s5  }
0xa: {  	s7 =	sor.u32 s2, s7;
	s10 =	sshrl.u32 s5, $0x1;
	s31 =	sshrl.u32 s11, $0x2  }
0xb: {  	s23 =	sshrl.u32 s16, $0x3;
	s7 =	smul.u32 $0x500, s7;
	s14 =	sadd.s32 s8, s0  }
0xc: {  	s15 =	ssub.s32 s5, s10;
	s8 =	sadd.s32 s16, s3;
	s12 =	sadd.s32 s31, s3  }
0xd: {  	s16 =	simm.s32 $0x2;
	s10 =	sadd.s32 $0x3000, s12;
	s11 =	sadd.s32 $0x4800, s12  }
0xe: {  	s14 =	sadd.s32 $0x36400, s14;
	s15 =	smax.u32 s15, $0x1;
	s9 =	sadd.s32 s7, s0  }
0xf: {  	v0 =	vlaneseq.u32;
	s6 =	sadd.s32 s6, s7;
	s23 =	sadd.s32 s23, s14;
	s5 =	sadd.s32 $0x2C400, s9  }
0x10: {  	v1 =	vimm.f32 $0.0e+00;
	v2 =	vor.u32 $0x10, v0;
	v3 =	vor.u32 $0x20, v0;
	s7 =	sadd.s32 $0x22400, s9;
	s9 =	sadd.s32 $0x1800, s12;
	s12 =	sadd.s32 $0x6000, s12  }
.LBB2_1:
0x11: {  	[tilespmem:s4], [sflag:$0x2] =	stream.linear.gather [hbm4b:s5+s4], $0x2800, $0x38;
	[tilespmem:$0x11D30] =	vst v63  }
0x12: {  	_ =	swait.ge [sflag:s16], $0x2800  }
0x13: {  	v4 =	vmov s4;
	[sflag:s16] =	ssyncset.done $0x0  }
0x14: {  	v4 =	vmul.u32 $0x30, v4;
	[sflag:s16] =	ssyncadd.s32 $0xFFFFD800  }
0x15: {  	[tilespmem:s17], [sflag:$0x2] =	stream.linear.gather [hbm4b:s6+s4], $0x2800, $0x38;
	[tilespmem:$0x11D30] =	vst v63  }
0x16: {  	v4 =	vbroadcast v4, $0x0;
	_ =	swait.ge [sflag:s16], $0x2800  }
0x17: {  	[sflag:s16] =	ssyncset.done $0x0  }
0x18: {  	s25 =	simm.s32 $0x1;
	v5 =	vor.u32 v0, v4;
	[sflag:s16] =	ssyncadd.s32 $0xFFFFD800  }
0x19: {  	v6 =	vmov s25;
	v7 =	vadd.s32 v2, v4;
	[tilespmem:s18], [sflag:$0x2] =	stream.linear.gather [hbm4b:s7+s4], $0x2800, $0x38;
	[tilespmem:$0x11D30] =	vst v63  }
0x1a: {  	v6 =	vmul.u32 $0x30, v6;
	v4 =	vadd.s32 v3, v4;
	_ =	swait.ge [sflag:s16], $0x2800  }
0x1b: {  	[sflag:s16] =	ssyncset.done $0x0  }
0x1c: {  	v6 =	vbroadcast v6, $0x0;
	[sflag:s16] =	ssyncadd.s32 $0xFFFFD800  }
0x1d: {  	[tilespmem:v5+s19+$0x0] =	vst.idx.msk $0xffff, v1  }
0x1e: {  	s25 =	simm.s32 $0x2;
	v5 =	vor.u32 v0, v6;
	[tilespmem:v7+s19+$0x0] =	vst.idx.msk $0xffff, v1  }
.LBB2_2:
0x1f: {  	v7 =	vmov s25;
	v8 =	vadd.s32 v2, v6;
	[tilespmem:v4+s19+$0x0] =	vst.idx.msk $0xffff, v1;
	p1 =	sne.s32 s25, $0x7F  }
.Ltmp0:
0x20: {  	v4 =	vadd.s32 v3, v6;
	v7 =	vmul.u32 $0x30, v7;
	(pc) =	sbr.rel @p1 .LBB2_2-.Ltmp0, $4  }
0x21: {  	s25 =	sadd.s32 $0x1, s25  }
0x22: {  	v6 =	vbroadcast v7, $0x0  }
0x23: {  	[tilespmem:v5+s19+$0x0] =	vst.idx.msk $0xffff, v1  }
0x24: {  	v5 =	vor.u32 v0, v6;
	[tilespmem:v8+s19+$0x0] =	vst.idx.msk $0xffff, v1  }
0x25: {  	_ = 	snop  }
0x26: {  	v7 =	vadd.s32 v2, v6  }
0x27: {  	v63 =	vadd.s32 v3, v6;
	_ =	sdelay $0x1  }
0x28: {  	[tilespmem:v4+s19+$0x0] =	vst.idx.msk $0xffff, v1  }
0x29: {  	[tilespmem:v5+s19+$0x0] =	vst.idx.msk $0xffff, v1  }
0x2a: {  	[tilespmem:v7+s19+$0x0] =	vst.idx.msk $0xffff, v1  }
0x2b: {  	[tilespmem:v63+s19+$0x0] =	vst.idx.msk $0xffff, v1  }
0x2c: {  	[spmem:s8] =	stream.linear.scatter [tilespmem:s19], [sflag:$0x2], $0x1800, $0x38;
	[tilespmem:$0x11D30] =	vst v63  }
0x2d: {  	_ =	swait.ge [sflag:s16], $0x1800  }
0x2e: {  	[sflag:s16] =	ssyncset.done $0x0  }
0x2f: {  	[sflag:s16] =	ssyncadd.s32 $0xFFFFE800  }
0x30: {  	[spmem:s9] =	stream.linear.scatter [tilespmem:s19], [sflag:$0x2], $0x1800, $0x38;
	[tilespmem:$0x11D30] =	vst v63  }
0x31: {  	_ =	swait.ge [sflag:s16], $0x1800  }
0x32: {  	[sflag:s16] =	ssyncset.done $0x0  }
0x33: {  	[sflag:s16] =	ssyncadd.s32 $0xFFFFE800  }
0x34: {  	[spmem:s10] =	stream.linear.scatter [tilespmem:s19], [sflag:$0x2], $0x1800, $0x38;
	[tilespmem:$0x11D30] =	vst v63  }
0x35: {  	_ =	swait.ge [sflag:s16], $0x1800  }
0x36: {  	[sflag:s16] =	ssyncset.done $0x0  }
0x37: {  	[sflag:s16] =	ssyncadd.s32 $0xFFFFE800  }
0x38: {  	[spmem:s11] =	stream.linear.scatter [tilespmem:s19], [sflag:$0x2], $0x1800, $0x38;
	[tilespmem:$0x11D30] =	vst v63  }
0x39: {  	_ =	swait.ge [sflag:s16], $0x1800  }
0x3a: {  	[sflag:s16] =	ssyncset.done $0x0  }
0x3b: {  	[sflag:s16] =	ssyncadd.s32 $0xFFFFE800  }
0x3c: {  	[spmem:s12] =	stream.linear.scatter [tilespmem:s19], [sflag:$0x2], $0x1500, $0x38;
	[tilespmem:$0x11D30] =	vst v63  }
0x3d: {  	_ =	swait.ge [sflag:s16], $0x1500  }
0x3e: {  	[sflag:s16] =	ssyncset.done $0x0  }
0x3f: {  	s25 =	simm.s32 @!p0 $0x9000;
	[sflag:s16] =	ssyncadd.s32 $0xFFFFEB00  }
0x40: {  	[spmem:s13] =	stream.linear.scatter @!p0 [tilespmem:s25], [sflag:$0x2], $0x300, $0x38;
	[tilespmem:$0x11D30] =	vst v63  }
0x41: {  	s25 =	simm.s32 @!p0 $0x2  }
0x42: {  	_ =	swait.ge @!p0 [sflag:s25], $0x300  }
0x43: {  	[sflag:s25] =	ssyncset.done @!p0 $0x0  }
0x44: {  	s26 =	simm.s32 $0x0;
	[sflag:s25] =	ssyncadd.s32 @!p0 $0xFFFFFD00  }
0x45: {  	s28 =	simm.s32 $0x0;
	s25 =	simm.s32 $0x0;
	[bflag:$0x0] =	sbarrier.arrive $0xFFFF  }
.LBB2_4:
0x46: {  	v4 =	vmov s25  }
0x47: {  	v4 =	vmul.u32 $0x30, v4;
	_ =	sdelay $0x1  }
0x48: {  	s30 =	sadd.s32 $0x0, s26;
	v4 =	vbroadcast v4, $0x0  }
0x49: {  	s29 =	sshll.u32 s28, $0x7;
	v5 =	vmov s30  }
0x4a: {  	[tilespmem:s21], [sflag:$0x1] =	stream.indirect.gather [hbm4b:s0+s20], $0x30, s29, s20, $0xb8;
	v6 =	vor.u32 v0, v4;
	[tilespmem:$0x11D30] =	vst v63  }
0x4b: {  	_ =	swait.ge [sflag:s22], $0x1800  }
0x4c: {  	[sflag:s22] =	ssyncset.done $0x0  }
0x4d: {  	[sflag:s22] =	ssyncadd.s32 $0xFFFFE800  }
0x4e: {  	v8 =	vld.idx.msk [tilespmem:v5+s18+$0x0], $0xffff  }
0x4f: {  	v5 =	vld.idx.msk [tilespmem:v6+s21+$0x0], $0xffff;
	_ =	sdelay $0x2  }
0x50: {  	v7 =	vadd.s32 v2, v4;
	_ =	sdelay $0x1  }
0x51: {  	v5 =	vmul.f32 v5, v8;
	_ =	sdelay $0x1  }
0x52: {  	[tilespmem:v6+s21+$0x0] =	vst.idx.msk $0xffff, v5  }
0x53: {  	v6 =	vld.idx.msk [tilespmem:v7+s21+$0x0], $0xffff;
	_ =	sdelay $0x2  }
0x54: {  	v5 =	vadd.s32 v3, v4;
	_ =	sdelay $0x1  }
0x55: {  	v4 =	vmul.f32 v6, v8  }
0x56: {  	s30 =	simm.s32 $0x1  }
0x57: {  	[tilespmem:v7+s21+$0x0] =	vst.idx.msk $0xffff, v4;
	v4 =	vmov s30  }
0x58: {  	v9 =	vld.idx.msk [tilespmem:v5+s21+$0x0], $0xffff;
	v4 =	vmul.u32 $0x30, v4;
	_ =	sdelay $0x1  }
0x59: {  	s31 =	sadd.s32 $0x1, s26;
	v4 =	vbroadcast v4, $0x0  }
0x5a: {  	v7 =	vmov s31  }
0x5b: {  	v6 =	vor.u32 v0, v4  }
0x5c: {  	s30 =	simm.s32 $0x2;
	v8 =	vmul.f32 v9, v8  }
.LBB2_5:
0x5d: {  	_ = 	snop  }
0x5e: {  	p1 =	sne.s32 s30, $0x7F;
	s31 =	smov.u32 s30;
	s30 =	sadd.s32 $0x1, s30;
	[tilespmem:v5+s21+$0x0] =	vst.idx.msk $0xffff, v8  }
0x5f: {  	v8 =	vld.idx.msk [tilespmem:v7+s18+$0x0], $0xffff  }
0x60: {  	v5 =	vld.idx.msk [tilespmem:v6+s21+$0x0], $0xffff;
	_ =	sdelay $0x3  }
0x61: {  	v7 =	vadd.s32 v2, v4;
	_ =	sdelay $0x1  }
0x62: {  	v5 =	vmul.f32 v5, v8;
	_ =	sdelay $0x1  }
0x63: {  	[tilespmem:v6+s21+$0x0] =	vst.idx.msk $0xffff, v5  }
0x64: {  	v6 =	vld.idx.msk [tilespmem:v7+s21+$0x0], $0xffff;
	_ =	sdelay $0x3  }
0x65: {  	v5 =	vadd.s32 v3, v4;
	_ =	sdelay $0x1  }
0x66: {  	v4 =	vmul.f32 v6, v8;
	_ =	sdelay $0x1  }
0x67: {  	[tilespmem:v7+s21+$0x0] =	vst.idx.msk $0xffff, v4  }
0x68: {  	v4 =	vmov s31;
	v9 =	vld.idx.msk [tilespmem:v5+s21+$0x0], $0xffff  }
0x69: {  	v4 =	vmul.u32 $0x30, v4  }
.Ltmp1:
0x6a: {  	(pc) =	sbr.rel @p1 .LBB2_5-.Ltmp1, $4  }
0x6b: {  	s31 =	sadd.s32 s31, s26;
	v4 =	vbroadcast v4, $0x0  }
0x6c: {  	v7 =	vmov s31  }
0x6d: {  	v6 =	vor.u32 v0, v4  }
0x6e: {  	v8 =	vmul.f32 v9, v8  }
0x6f: {  	_ =	sdelay $0x3  }
0x70: {  	[tilespmem:v5+s21+$0x0] =	vst.idx.msk $0xffff, v8  }
0x71: {  	v5 =	vld.idx.msk [tilespmem:v7+s18+$0x0], $0xffff  }
0x72: {  	v62 =	vld.idx.msk [tilespmem:v6+s21+$0x0], $0xffff;
	_ =	sdelay $0x2  }
0x73: {  	v63 =	vadd.s32 v2, v4;
	_ =	sdelay $0x1  }
0x74: {  	v7 =	vmul.f32 v62, v5;
	_ =	sdelay $0x1  }
0x75: {  	[tilespmem:v6+s21+$0x0] =	vst.idx.msk $0xffff, v7  }
0x76: {  	v6 =	vld.idx.msk [tilespmem:v63+s21+$0x0], $0xffff;
	_ =	sdelay $0x2  }
0x77: {  	v4 =	vadd.s32 v3, v4;
	_ =	sdelay $0x1  }
0x78: {  	v6 =	vmul.f32 v6, v5;
	_ =	sdelay $0x1  }
0x79: {  	[tilespmem:v63+s21+$0x0] =	vst.idx.msk $0xffff, v6  }
0x7a: {  	v6 =	vld.idx.msk [tilespmem:v4+s21+$0x0], $0xffff;
	_ =	sdelay $0x4  }
0x7b: {  	s28 =	sadd.s32 $0x1, s28;
	v5 =	vmul.f32 v6, v5  }
0x7c: {  	p1 =	sne.s32 s28, $0x50  }
.Ltmp2:
0x7d: {  	s29 =	sadd.s32 $0x2800, s29;
	[tilespmem:v4+s21+$0x0] =	vst.idx.msk $0xffff, v5;
	(pc) =	sbr.rel @p1 .LBB2_4-.Ltmp2, $4  }
0x7e: {  	[spmem:s3] =	stream.indirect.scatter.add.f32 [tilespmem:s21], [sflag:$0x2], $0x30, s29, s20, $0xb8;
	[tilespmem:$0x11D30] =	vst v63  }
0x7f: {  	_ =	swait.ge [sflag:s16], $0x1800  }
0x80: {  	[sflag:s16] =	ssyncset.done $0x0  }
0x81: {  	s26 =	sadd.s32 $0x80, s26;
	[sflag:s16] =	ssyncadd.s32 $0xFFFFE800  }
0x82: {  	s25 =	sshll.u32 s2, $0x6  }
0x83: {  	[bflag:$0x0] =	sbarrier.arrive $0xFFFF;
	s26 =	sshrl.u32 s8, $0x3;
	s25 =	sor.u32 $0x1C02, s25  }
0x84: {  	[hbm:s23], [sflag:s25] =	dma.local [spmem:s26], $0xEA0  }
0x85: {  	_ =	swait.ge [sflag:s16], $0xEA0  }
0x86: {  	s28 =	sshrl.u32 @!p0 s13, $0x3;
	s24 =	sadd.s32 $0x1, s24;
	[sflag:s16] =	ssyncset.done $0x0  }
0x87: {  	p1 =	sne.s32 s24, s15;
	s26 =	sadd.s32 @!p0 $0xEA00, s14;
	[sflag:s16] =	ssyncadd.s32 $0xFFFFF160  }
0x88: {  	[hbm:s26], [sflag:s25] =	dma.local @!p0 [spmem:s28], $0x60  }
.Ltmp3:
0x89: {  	_ = 	snop;
	(pc) =	sbr.rel @p1 .LBB2_1-.Ltmp3, $4  }
0x8a: {  	s25 =	simm.s32 @!p0 $0x2  }
0x8b: {  	_ =	swait.ge @!p0 [sflag:s25], $0x60  }
0x8c: {  	[sflag:s25] =	ssyncset.done @!p0 $0x0  }
0x8d: {  	[sflag:s25] =	ssyncadd.s32 @!p0 $0xFFFFFFA0  }
0x8e: {  	_ =	sfence.sel $0x180000  }
0x8f: {  	[bflag:$0x0] =	sbarrier.arrive $0xFFFF  }
0x90: {  	p0 =	sne.s32 s2, $0x0;
	_ =	strace $0x9000004A  }
0x91: {  	s0 =	sadd.s32 @!p0 $0x100000, s1;
	[bflag:$0x2] =	sbarrier.arrive $0xFFFF  }
0x92: {  	[sflag:s0] =	ssyncadd.tile.s32 @!p0 $0x1;
	_ =	shalt  }
.Lfunc_end2:
_tile_overlayer_lowered:
.L_overlay_start_2:
0x93: {  	(tag) =	ssettag $0x2  }
0x94: {  	s0 =	rddreg [dreg:$0x0];
	s2 =	stileid.u32  }
0x95: {  	s1 =	rddreg [dreg:$0x1];
	p0 =	sne.s32 s2, $0x0  }
0x96: {  	s3 =	rddreg [dreg:$0x2];
	[bflag:$0x3] =	sbarrier.arrive $0xFFFF;
	s2 =	simm.s32 @!p0 $0x1C02  }
0x97: {  	[timem:s3], [sflag:s2] =	dma.local @!p0 [hbm:s0], s1  }
0x98: {  	s0 =	simm.s32 @!p0 $0x2  }
0x99: {  	_ =	swait.ge @!p0 [sflag:s0], s1  }
0x9a: {  	s1 =	ssub.s32 @!p0 $0x0, s1;
	[sflag:s0] =	ssyncset.done @!p0 $0x0  }
0x9b: {  	[sflag:s0] =	ssyncadd.s32 @!p0 s1  }
0x9c: {  	[bflag:$0x3] =	sbarrier.arrive $0xFFFF  }
0x9d: {  	_ =	shalt  }

// kernel: kernel.7.cloned.1.call-start
scs
__scs_entry_jumppad:
0x0: {  	(pc) =	sbr.rel $0x88, $3  }
0x1: {  	(tag) =	ssettag $0x0;
	lr =	simm.s32 $0x1  }
0x2: {  	[smem:$0x3F9A] =	sst lr;
	_ =	strace $0xD0000000  }
0x3: {  	_ = 	snop  }
0x4: {  	_ = 	snop  }
0x5: {  	_ = 	snop  }
0x6: {  	_ = 	snop  }
0x7: {  	_ = 	snop  }
__scs_overlays_trampoline_lowered:
0x8: {  	[smem:$0x3FA9] =	sst s0  }
0x9: {  	[smem:$0x3FAA] =	sst s1  }
0xa: {  	[smem:$0x3FAB] =	sst s2  }
0xb: {  	[smem:$0x3FAC] =	sst s3  }
0xc: {  	[smem:$0x3FAD] =	sst s4  }
0xd: {  	[smem:$0x3FAE] =	sst s5  }
0xe: {  	[smem:$0x3FAF] =	sst s6  }
0xf: {  	[smem:$0x3FB0] =	sst s7  }
0x10: {  	[smem:$0x3FB1] =	sst s8  }
0x11: {  	[smem:$0x3FB2] =	sst s9;
	s0 =	simm.s32 @!p0 $0x0  }
0x12: {  	s1 =	sld [smem:$0x3F98];
	s0 =	simm.s32 @p0 $0x1  }
0x13: {  	[smem:$0x3FB3] =	sst s0;
	s0 =	simm.s32 @!p1 $0x0  }
0x14: {  	s2 =	sld [smem:$0x3F97];
	s0 =	simm.s32 @p1 $0x1  }
0x15: {  	[smem:$0x3FB4] =	sst s0;
	s0 =	simm.s32 @!p2 $0x0  }
0x16: {  	s3 =	sld [smem:$0x3FDB];
	s0 =	simm.s32 @p2 $0x1  }
0x17: {  	s4 =	simm.s32 $0x1BF5;
	[smem:$0x3FB6] =	sst s0  }
0x18: {  	s0 =	sld [smem:$0x3F99];
	_ =	swait.ge [sflag:s4], $0x0  }
0x19: {  	s7 =	sld [smem:$0x3F9A]  }
0x1a: {  	s8 =	sadd.s32 $0xFFFFE003, lr  }
0x1b: {  	s9 =	sadd.s32 $0xFFFFFEF7, lr;
	s5 =	simm.s32 $0xFFFFFFFF;
	p2 =	slt.u32 s8, $0xFFFFF086  }
0x1c: {  	p1 =	slt.u32 s9, $0xF7A;
	s5 =	simm.s32 @!p2 $0x0  }
0x1d: {  	s5 =	simm.s32 @p1 $0x1;
	p0 =	seq.s32 s7, s2  }
0x1e: {  	s7 =	smul.u32 @!p0 $0xF7A, s2;
	p2 =	seq.s32 @!p0 s5, $0x0  }
0x1f: {  	s9 =	smul.u32 $0xF7A, s1;
	s8 =	simm.s32 @!p0 $0x1BF5;
	p2 =	por !p2, p0  }
0x20: {  	[sflag:s8] =	ssyncset.s32 @!p0 $0xFFFFF086;
	s6 =	sadd.s32 @!p0 s3, s7;
	s7 =	simm.s32 @!p0 $0x108  }
0x21: {  	s3 =	sadd.s32 s3, s9;
	s6 =	sadd.s32 @!p0 $0x88, s6;
	s7 =	simm.s32 @p2 $0x1082  }
0x22: {  	[simem:s7], [sflag:s8] =	dma.local @!p0 [hbm:s6], $0xF7A  }
0x23: {  	s9 =	sor.u32 $0xD0000000, s2;
	s6 =	simm.s32 $0x108;
	_ =	swait.ge @!p0 [sflag:s8], $0x0  }
0x24: {  	s3 =	sadd.s32 $0x88, s3;
	s6 =	simm.s32 @!p1 $0x1082;
	[sflag:s4] =	ssyncset.s32 $0xFFFFF086  }
0x25: {  	[simem:s6], [sflag:s4] =	dma.local [hbm:s3], $0xF7A  }
0x26: {  	[smem:$0x3F9A] =	sst s1;
	(tag) =	ssettag s2;
	_ =	strace s9  }
0x27: {  	s1 =	sld [smem:$0x3FAA]  }
0x28: {  	s2 =	sld [smem:$0x3FAB]  }
0x29: {  	s4 =	sld [smem:$0x3FAD]  }
0x2a: {  	p0 =	seq.s32 s5, $0x0;
	s5 =	sld [smem:$0x3FAE]  }
0x2b: {  	s6 =	sld [smem:$0x3FAF]  }
0x2c: {  	s7 =	sld [smem:$0x3FB0]  }
0x2d: {  	s3 =	simm.s32 $0x108;
	s8 =	sld [smem:$0x3FB1]  }
0x2e: {  	s3 =	simm.s32 @!p0 $0x1082;
	s9 =	sld [smem:$0x3FB2]  }
0x2f: {  	lr =	sadd.s32 s0, s3;
	s0 =	sld [smem:$0x3FA9]  }
0x30: {  	s3 =	sld [smem:$0x3FAC]  }
0x31: {  	[smem:$0x3FB5] =	sst s10  }
0x32: {  	s10 =	sld [smem:$0x3FB3];
	_ =	sdelay $0x3  }
0x33: {  	p0 =	seq.s32 s10, $0x1;
	s10 =	sld [smem:$0x3FB5];
	_ =	sdelay $0x3  }
0x34: {  	[smem:$0x3FB5] =	sst s10  }
0x35: {  	s10 =	sld [smem:$0x3FB4];
	_ =	sdelay $0x3  }
0x36: {  	p1 =	seq.s32 s10, $0x1;
	s10 =	sld [smem:$0x3FB5];
	_ =	sdelay $0x3  }
0x37: {  	[smem:$0x3FB5] =	sst s10  }
0x38: {  	s10 =	sld [smem:$0x3FB6]  }
0x39: {  	_ = 	snop;
	(pc) =	sbr.ind lr, $3  }
0x3a: {  	_ = 	snop  }
0x3b: {  	_ = 	snop  }
0x3c: {  	p2 =	seq.s32 s10, $0x1;
	s10 =	sld [smem:$0x3FB5]  }
0x3d: {  	_ =	shalt  }
0x3e: {  	_ =	shalt  }
0x3f: {  	_ =	shalt  }
0x40: {  	_ =	shalt  }
0x41: {  	_ =	shalt  }
0x42: {  	_ =	shalt  }
0x43: {  	_ =	shalt  }
0x44: {  	_ =	shalt  }
0x45: {  	_ =	shalt  }
0x46: {  	_ =	shalt  }
0x47: {  	_ =	shalt  }
0x48: {  	_ =	shalt  }
0x49: {  	_ =	shalt  }
0x4a: {  	_ =	shalt  }
0x4b: {  	_ =	shalt  }
0x4c: {  	_ =	shalt  }
0x4d: {  	_ =	shalt  }
0x4e: {  	_ =	shalt  }
0x4f: {  	_ =	shalt  }
0x50: {  	_ =	shalt  }
0x51: {  	_ =	shalt  }
0x52: {  	_ =	shalt  }
0x53: {  	_ =	shalt  }
0x54: {  	_ =	shalt  }
0x55: {  	_ =	shalt  }
0x56: {  	_ =	shalt  }
0x57: {  	_ =	shalt  }
0x58: {  	_ =	shalt  }
0x59: {  	_ =	shalt  }
0x5a: {  	_ =	shalt  }
0x5b: {  	_ =	shalt  }
0x5c: {  	_ =	shalt  }
0x5d: {  	_ =	shalt  }
0x5e: {  	_ =	shalt  }
0x5f: {  	_ =	shalt  }
0x60: {  	_ =	shalt  }
0x61: {  	_ =	shalt  }
0x62: {  	_ =	shalt  }
0x63: {  	_ =	shalt  }
0x64: {  	_ =	shalt  }
0x65: {  	_ =	shalt  }
0x66: {  	_ =	shalt  }
0x67: {  	_ =	shalt  }
0x68: {  	_ =	shalt  }
0x69: {  	_ =	shalt  }
0x6a: {  	_ =	shalt  }
0x6b: {  	_ =	shalt  }
0x6c: {  	_ =	shalt  }
0x6d: {  	_ =	shalt  }
0x6e: {  	_ =	shalt  }
0x6f: {  	_ =	shalt  }
0x70: {  	_ =	shalt  }
0x71: {  	_ =	shalt  }
0x72: {  	_ =	shalt  }
0x73: {  	_ =	shalt  }
0x74: {  	_ =	shalt  }
0x75: {  	_ =	shalt  }
0x76: {  	_ =	shalt  }
0x77: {  	_ =	shalt  }
0x78: {  	_ =	shalt  }
0x79: {  	_ =	shalt  }
0x7a: {  	_ =	shalt  }
0x7b: {  	_ =	shalt  }
0x7c: {  	_ =	shalt  }
0x7d: {  	_ =	shalt  }
0x7e: {  	_ =	shalt  }
0x7f: {  	_ =	shalt  }
0x80: {  	_ =	shalt  }
0x81: {  	_ =	shalt  }
0x82: {  	_ =	shalt  }
0x83: {  	_ =	shalt  }
0x84: {  	_ =	shalt  }
0x85: {  	_ =	shalt  }
0x86: {  	_ =	shalt  }
0x87: {  	_ =	shalt  }
.Lfunc_end0:
.L_simem_size_0:
called_computation_lowered:
.L_overlay_start_0:
0x88: {  	s2 =	sld [smem:$0x3FD9]  }
0x89: {  	s3 =	sld [smem:$0x3FFE];
	_ =	sdelay $0x1  }
0x8a: {  	s1 =	srdreg.scid  }
0x8b: {  	s0 =	sand.u32 $0x1, s1  }
0x8c: {  	s17 =	sshll.u32 s0, $0xA;
	s2 =	sadd.s32 s3, s2  }
0x8d: {  	s2 =	sadd.s32 s2, s17  }
0x8e: {  	[smem:$0x3FC1] =	sst s2  }
0x8f: {  	_ = 	snop  }
0x90: {  	s2 =	sld [smem:$0x3FD0];
	(tm) =	ssettm $0x1  }
0x91: {  	s18 =	sld [smem:$0x3FFB];
	_ =	sdelay $0x3  }
0x92: {  	_ =	strace s18  }
0x93: {  	s3 =	sld [smem:$0x3FFC];
	_ =	sdelay $0x3  }
0x94: {  	_ =	strace s3  }
0x95: {  	s3 =	sld [smem:$0x3FFD];
	_ =	sdelay $0x3  }
0x96: {  	_ =	strace s3  }
0x97: {  	_ =	strace $0x8FFFFFFF  }
0x98: {  	s19 =	sld [smem:$0x3FDB];
	_ =	sdelay $0x1  }
0x99: {  	s4 =	simm.s32 $_scs_section_size  }
0x9a: {  	s5 =	simm.s32 $_size__tile_overlayer_lowered;
	s6 =	simm.s32 $_tile_overlayer_lowered  }
0x9b: {  	s22 =	simm.s32 $0x1BFF;
	s21 =	sshll.u32 s6, $0x1;
	s3 =	sadd.s32 s4, s19  }
0x9c: {  	s7 =	simm.s32 $0x0;
	s20 =	sshll.u32 s5, $0x1;
	s5 =	sadd.s32 s21, s3  }
0x9d: {  	[timem:s7], [sflag:s22] =	dma.local [hbm:s5], s20  }
0x9e: {  	_ =	swait.ge [sflag:s22], s20  }
0x9f: {  	s4 =	ssub.s32 $0x0, s20;
	[sflag:s22] =	ssyncset.done $0x0  }
0xa0: {  	[sflag:s22] =	ssyncadd.s32 s4;
	_ =	sdelay $0x1  }
0xa1: {  	s23 =	simm.s32 $0x1B8B  }
0xa2: {  	_ =	swait.ge [sflag:s23], $0x1  }
0xa3: {  	[sflag:s23] =	ssyncset.done $0x0  }
0xa4: {  	s25 =	simm.s32 $0x1B8E;
	s24 =	sld [smem:$0x3FFE];
	[sflag:s23] =	ssyncadd.s32 $0xFFFFFFFF  }
0xa5: {  	s26 =	simm.s32 $execute0_lowered;
	[smem:$0x3FD2] =	sst s25  }
0xa6: {  	s5 =	sshll.u32 s26, $0x1;
	_ =	strace $0x80000046;
	[dreg:$0x1] =	wrdreg $0xFFFFFFFF  }
0xa7: {  	s28 =	simm.s32 $_size_execute0_lowered;
	s3 =	sadd.s32 s3, s5;
	[dreg:$0x0] =	wrdreg $0x0  }
0xa8: {  	s5 =	sshll.u32 s28, $0x1;
	[dreg:$0x2] =	wrdreg s3  }
0xa9: {  	[dreg:$0x3] =	wrdreg s5  }
0xaa: {  	[dreg:$0x4] =	wrdreg $0xC0  }
0xab: {  	_ =	task [dreg:s7], $0x5FFFF  }
0xac: {  	[dreg:$0x1] =	wrdreg $0xFFFFFFFF  }
0xad: {  	[dreg:$0x0] =	wrdreg $0x60  }
0xae: {  	[dreg:$0x2] =	wrdreg s24  }
0xaf: {  	[dreg:$0x3] =	wrdreg s2  }
0xb0: {  	[dreg:$0x4] =	wrdreg $0xE8000  }
0xb1: {  	[dreg:$0x5] =	wrdreg $0x9  }
0xb2: {  	_ =	task.clear_ibuf [dreg:s7], $0x6FFFF;
	_ =	strace $0x90000046  }
0xb3: {  	s29 =	simm.s32 $0x9;
	_ =	strace $0x80000048  }
0xb4: {  	_ =	swait.ge [sflag:s29], $0x1  }
0xb5: {  	[sflag:s29] =	ssyncadd.s32 $0xFFFFFFFF  }
0xb6: {  	_ =	strace $0x90000048  }
0xb7: {  	_ =	sfence  }
0xb8: {  	s30 =	sld [smem:$0x0];
	_ =	sdelay $0x2  }
0xb9: {  	s31 =	sshll.u32 s1, $0xD;
	s1 =	sshrl.u32 s1, $0x2  }
0xba: {  	s3 =	sand.u32 $0x4000, s31;
	s1 =	sadd.s32 s1, s30  }
0xbb: {  	s0 =	sor.u32 s3, s0;
	s1 =	sshll.u32 s1, $0x11  }
0xbc: {  	s0 =	sor.u32 s1, s0  }
0xbd: {  	s0 =	sadd.s32 $0x8F2B, s0  }
0xbe: {  	[sflag:s0] =	ssyncadd.remote.s32 $0x1  }
0xbf: {  	_ =	sfence.sel $0xFFFF  }
0xc0: {  	[dreg:$0x0] =	wrdreg $0xFFFFFFFF;
	(pc) =	sbr.abs _section_cstart, $3  }
0xc1: {  	[dreg:$0x1] =	wrdreg $0xFFFFFFFF  }
0xc2: {  	_ =	task.clear_ibuf [dreg:s7], $0x2FFFF;
	_ =	strace $0x9FFFFFFF  }
0xc3: {  	(tm) =	ssettm $0x7FFFFFFF  }
tec
execute0_lowered:
.L_overlay_start_1:
0x0: {  	(tag) =	ssettag $0x1  }
0x1: {  	s0 =	rddreg [dreg:$0x0]  }
0x2: {  	s1 =	srdreg.scid;
	s6 =	rddreg [dreg:$0x1]  }
0x3: {  	s3 =	rddreg [dreg:$0x2];
	s2 =	stileid.u32;
	s4 =	simm.s32 $0x0  }
0x4: {  	s17 =	simm.s32 $0x2800;
	s18 =	simm.s32 $0x5000;
	s19 =	simm.s32 $0xB000  }
0x5: {  	s20 =	simm.s32 $0x80;
	s21 =	simm.s32 $0x7800;
	s22 =	simm.s32 $0x1  }
0x6: {  	s5 =	sand.u32 $0x1, s1;
	s1 =	rddreg [dreg:$0x3];
	s11 =	smul.u32 $0x44400, s2  }
0x7: {  	s24 =	simm.s32 $0x0;
	[smem:$0x7FF] =	sst s4;
	s16 =	smul.u32 $0x11100, s2  }
0x8: {  	s13 =	sadd.s32 $0x111000, s3;
	p0 =	sne.s32 s2, $0xF;
	s7 =	sshll.u32 s5, $0x4  }
0x9: {  	_ =	strace $0x80000047;
	s8 =	smul.u32 $0x222E0, s5;
	s5 =	ssub.s32 $0x2, s5  }
0xa: {  	s7 =	sor.u32 s2, s7;
	s10 =	sshrl.u32 s5, $0x1;
	s31 =	sshrl.u32 s11, $0x2  }
0xb: {  	s23 =	sshrl.u32 s16, $0x3;
	s7 =	smul.u32 $0x500, s7;
	s14 =	sadd.s32 s8, s0  }
0xc: {  	s15 =	ssub.s32 s5, s10;
	s8 =	sadd.s32 s16, s3;
	s12 =	sadd.s32 s31, s3  }
0xd: {  	s16 =	simm.s32 $0x2;
	s10 =	sadd.s32 $0x7000, s12;
	s11 =	sadd.s32 $0xA800, s12  }
0xe: {  	v0 =	vlaneseq.u32;
	v1 =	vimm.f32 $0.0e+00;
	s14 =	sadd.s32 $0x36400, s14;
	s15 =	smax.u32 s15, $0x1;
	s9 =	sadd.s32 s7, s0  }
0xf: {  	v2 =	vor.u32 $0x10, v0;
	v3 =	vor.u32 $0x20, v0;
	v4 =	vor.u32 $0x30, v0;
	s6 =	sadd.s32 s6, s7;
	s23 =	sadd.s32 s23, s14;
	s5 =	sadd.s32 $0x2C400, s9  }
0x10: {  	v5 =	vor.u32 $0x40, v0;
	v6 =	vor.u32 $0x50, v0;
	v7 =	vor.u32 $0x60, v0;
	s7 =	sadd.s32 $0x22400, s9;
	s9 =	sadd.s32 $0x3800, s12;
	s12 =	sadd.s32 $0xE000, s12  }
.LBB2_1:
0x11: {  	[tilespmem:s4], [sflag:$0x2] =	stream.linear.gather [hbm4b:s5+s4], $0x2800, $0x38;
	[tilespmem:$0x1F970] =	vst v63  }
0x12: {  	_ =	swait.ge [sflag:s16], $0x2800  }
0x13: {  	v8 =	vmov s4;
	[sflag:s16] =	ssyncset.done $0x0  }
0x14: {  	v8 =	vmul.u32 $0x70, v8;
	[sflag:s16] =	ssyncadd.s32 $0xFFFFD800  }
0x15: {  	[tilespmem:s17], [sflag:$0x2] =	stream.linear.gather [hbm4b:s6+s4], $0x2800, $0x38;
	[tilespmem:$0x1F970] =	vst v63  }
0x16: {  	v9 =	vbroadcast v8, $0x0;
	_ =	swait.ge [sflag:s16], $0x2800  }
0x17: {  	[sflag:s16] =	ssyncset.done $0x0  }
0x18: {  	s25 =	simm.s32 $0x1;
	v10 =	vor.u32 v0, v9;
	[sflag:s16] =	ssyncadd.s32 $0xFFFFD800  }
0x19: {  	v13 =	vadd.s32 v2, v9;
	[tilespmem:s18], [sflag:$0x2] =	stream.linear.gather [hbm4b:s7+s4], $0x2800, $0x38;
	[tilespmem:$0x1F970] =	vst v63  }
0x1a: {  	v8 =	vmov s25;
	v14 =	vadd.s32 v3, v9;
	_ =	swait.ge [sflag:s16], $0x2800  }
0x1b: {  	v8 =	vmul.u32 $0x70, v8;
	v15 =	vadd.s32 v4, v9;
	[sflag:s16] =	ssyncset.done $0x0  }
0x1c: {  	v11 =	vadd.s32 v5, v9;
	[sflag:s16] =	ssyncadd.s32 $0xFFFFD800  }
0x1d: {  	v12 =	vadd.s32 v6, v9;
	v8 =	vbroadcast v8, $0x0;
	[tilespmem:v10+s19+$0x0] =	vst.idx.msk $0xffff, v1  }
0x1e: {  	[tilespmem:v13+s19+$0x0] =	vst.idx.msk $0xffff, v1;
	v13 =	vadd.s32 v7, v9  }
0x1f: {  	v10 =	vor.u32 v0, v8;
	[tilespmem:v14+s19+$0x0] =	vst.idx.msk $0xffff, v1  }
0x20: {  	s25 =	simm.s32 $0x2;
	v9 =	vadd.s32 v3, v8;
	v14 =	vadd.s32 v2, v8;
	[tilespmem:v15+s19+$0x0] =	vst.idx.msk $0xffff, v1  }
.LBB2_2:
0x21: {  	v15 =	vmov s25;
	p1 =	sne.s32 s25, $0x7F;
	s25 =	sadd.s32 $0x1, s25;
	[tilespmem:v11+s19+$0x0] =	vst.idx.msk $0xffff, v1  }
0x22: {  	v16 =	vadd.s32 v4, v8;
	v15 =	vmul.u32 $0x70, v15;
	[tilespmem:v12+s19+$0x0] =	vst.idx.msk $0xffff, v1  }
.Ltmp0:
0x23: {  	v11 =	vadd.s32 v5, v8;
	[tilespmem:v13+s19+$0x0] =	vst.idx.msk $0xffff, v1;
	(pc) =	sbr.rel @p1 .LBB2_2-.Ltmp0, $4  }
0x24: {  	v12 =	vadd.s32 v6, v8;
	v15 =	vbroadcast v15, $0x0;
	[tilespmem:v10+s19+$0x0] =	vst.idx.msk $0xffff, v1  }
0x25: {  	v13 =	vadd.s32 v7, v8;
	[tilespmem:v14+s19+$0x0] =	vst.idx.msk $0xffff, v1  }
0x26: {  	v10 =	vor.u32 v0, v15;
	[tilespmem:v9+s19+$0x0] =	vst.idx.msk $0xffff, v1;
	v9 =	vadd.s32 v3, v15;
	v8 =	vmov v15  }
0x27: {  	v14 =	vadd.s32 v2, v8;
	[tilespmem:v16+s19+$0x0] =	vst.idx.msk $0xffff, v1  }
0x28: {  	_ =	sdelay $0x3  }
0x29: {  	[tilespmem:v11+s19+$0x0] =	vst.idx.msk $0xffff, v1  }
0x2a: {  	v61 =	vadd.s32 v4, v8;
	[tilespmem:v12+s19+$0x0] =	vst.idx.msk $0xffff, v1  }
0x2b: {  	v62 =	vadd.s32 v5, v8;
	[tilespmem:v13+s19+$0x0] =	vst.idx.msk $0xffff, v1  }
0x2c: {  	v63 =	vadd.s32 v6, v8;
	[tilespmem:v10+s19+$0x0] =	vst.idx.msk $0xffff, v1  }
0x2d: {  	v8 =	vadd.s32 v7, v8;
	[tilespmem:v14+s19+$0x0] =	vst.idx.msk $0xffff, v1  }
0x2e: {  	[tilespmem:v9+s19+$0x0] =	vst.idx.msk $0xffff, v1  }
0x2f: {  	[tilespmem:v61+s19+$0x0] =	vst.idx.msk $0xffff, v1  }
0x30: {  	[tilespmem:v62+s19+$0x0] =	vst.idx.msk $0xffff, v1  }
0x31: {  	[tilespmem:v63+s19+$0x0] =	vst.idx.msk $0xffff, v1  }
0x32: {  	[tilespmem:v8+s19+$0x0] =	vst.idx.msk $0xffff, v1  }
0x33: {  	[spmem:s8] =	stream.linear.scatter [tilespmem:s19], [sflag:$0x2], $0x3800, $0x38;
	[tilespmem:$0x1F970] =	vst v63  }
0x34: {  	_ =	swait.ge [sflag:s16], $0x3800  }
0x35: {  	[sflag:s16] =	ssyncset.done $0x0  }
0x36: {  	[sflag:s16] =	ssyncadd.s32 $0xFFFFC800  }
0x37: {  	[spmem:s9] =	stream.linear.scatter [tilespmem:s19], [sflag:$0x2], $0x3800, $0x38;
	[tilespmem:$0x1F970] =	vst v63  }
0x38: {  	_ =	swait.ge [sflag:s16], $0x3800  }
0x39: {  	[sflag:s16] =	ssyncset.done $0x0  }
0x3a: {  	[sflag:s16] =	ssyncadd.s32 $0xFFFFC800  }
0x3b: {  	[spmem:s10] =	stream.linear.scatter [tilespmem:s19], [sflag:$0x2], $0x3800, $0x38;
	[tilespmem:$0x1F970] =	vst v63  }
0x3c: {  	_ =	swait.ge [sflag:s16], $0x3800  }
0x3d: {  	[sflag:s16] =	ssyncset.done $0x0  }
0x3e: {  	[sflag:s16] =	ssyncadd.s32 $0xFFFFC800  }
0x3f: {  	[spmem:s11] =	stream.linear.scatter [tilespmem:s19], [sflag:$0x2], $0x3800, $0x38;
	[tilespmem:$0x1F970] =	vst v63  }
0x40: {  	_ =	swait.ge [sflag:s16], $0x3800  }
0x41: {  	[sflag:s16] =	ssyncset.done $0x0  }
0x42: {  	[sflag:s16] =	ssyncadd.s32 $0xFFFFC800  }
0x43: {  	[spmem:s12] =	stream.linear.scatter [tilespmem:s19], [sflag:$0x2], $0x3100, $0x38;
	[tilespmem:$0x1F970] =	vst v63  }
0x44: {  	_ =	swait.ge [sflag:s16], $0x3100  }
0x45: {  	[sflag:s16] =	ssyncset.done $0x0  }
0x46: {  	s25 =	simm.s32 @!p0 $0xB000;
	[sflag:s16] =	ssyncadd.s32 $0xFFFFCF00  }
0x47: {  	[spmem:s13] =	stream.linear.scatter @!p0 [tilespmem:s25], [sflag:$0x2], $0x700, $0x38;
	[tilespmem:$0x1F970] =	vst v63  }
0x48: {  	s25 =	simm.s32 @!p0 $0x2  }
0x49: {  	_ =	swait.ge @!p0 [sflag:s25], $0x700  }
0x4a: {  	[sflag:s25] =	ssyncset.done @!p0 $0x0  }
0x4b: {  	s26 =	simm.s32 $0x0;
	[sflag:s25] =	ssyncadd.s32 @!p0 $0xFFFFF900  }
0x4c: {  	s28 =	simm.s32 $0x0;
	s25 =	simm.s32 $0x0;
	[bflag:$0x0] =	sbarrier.arrive $0xFFFF  }
.LBB2_4:
0x4d: {  	v8 =	vmov s25  }
0x4e: {  	v8 =	vmul.u32 $0x70, v8;
	_ =	sdelay $0x1  }
0x4f: {  	s30 =	sadd.s32 $0x0, s26;
	v8 =	vbroadcast v8, $0x0  }
0x50: {  	s29 =	sshll.u32 s28, $0x7;
	v9 =	vmov s30  }
0x51: {  	[tilespmem:s21], [sflag:$0x1] =	stream.indirect.gather [hbm4b:s0+s20], $0x70, s29, s20, $0xb8;
	v10 =	vor.u32 v0, v8;
	[tilespmem:$0x1F970] =	vst v63  }
0x52: {  	_ =	swait.ge [sflag:s22], $0x3800  }
0x53: {  	[sflag:s22] =	ssyncset.done $0x0  }
0x54: {  	[sflag:s22] =	ssyncadd.s32 $0xFFFFC800  }
0x55: {  	v12 =	vld.idx.msk [tilespmem:v9+s18+$0x0], $0xffff  }
0x56: {  	v9 =	vld.idx.msk [tilespmem:v10+s21+$0x0], $0xffff;
	_ =	sdelay $0x2  }
0x57: {  	v11 =	vadd.s32 v2, v8;
	_ =	sdelay $0x1  }
0x58: {  	v9 =	vmul.f32 v9, v12;
	_ =	sdelay $0x1  }
0x59: {  	[tilespmem:v10+s21+$0x0] =	vst.idx.msk $0xffff, v9  }
0x5a: {  	v9 =	vld.idx.msk [tilespmem:v11+s21+$0x0], $0xffff;
	_ =	sdelay $0x2  }
0x5b: {  	v10 =	vadd.s32 v3, v8;
	_ =	sdelay $0x1  }
0x5c: {  	v9 =	vmul.f32 v9, v12;
	_ =	sdelay $0x1  }
0x5d: {  	[tilespmem:v11+s21+$0x0] =	vst.idx.msk $0xffff, v9  }
0x5e: {  	v9 =	vld.idx.msk [tilespmem:v10+s21+$0x0], $0xffff;
	_ =	sdelay $0x2  }
0x5f: {  	v11 =	vadd.s32 v4, v8;
	_ =	sdelay $0x1  }
0x60: {  	v9 =	vmul.f32 v9, v12;
	_ =	sdelay $0x1  }
0x61: {  	[tilespmem:v10+s21+$0x0] =	vst.idx.msk $0xffff, v9  }
0x62: {  	v9 =	vld.idx.msk [tilespmem:v11+s21+$0x0], $0xffff;
	_ =	sdelay $0x2  }
0x63: {  	v10 =	vadd.s32 v5, v8;
	_ =	sdelay $0x1  }
0x64: {  	v9 =	vmul.f32 v9, v12;
	_ =	sdelay $0x1  }
0x65: {  	[tilespmem:v11+s21+$0x0] =	vst.idx.msk $0xffff, v9  }
0x66: {  	v9 =	vld.idx.msk [tilespmem:v10+s21+$0x0], $0xffff;
	_ =	sdelay $0x2  }
0x67: {  	v11 =	vadd.s32 v6, v8;
	_ =	sdelay $0x1  }
0x68: {  	v9 =	vmul.f32 v9, v12;
	_ =	sdelay $0x1  }
0x69: {  	[tilespmem:v10+s21+$0x0] =	vst.idx.msk $0xffff, v9  }
0x6a: {  	v10 =	vld.idx.msk [tilespmem:v11+s21+$0x0], $0xffff;
	_ =	sdelay $0x2  }
0x6b: {  	v9 =	vadd.s32 v7, v8;
	_ =	sdelay $0x1  }
0x6c: {  	v8 =	vmul.f32 v10, v12  }
0x6d: {  	s30 =	simm.s32 $0x1  }
0x6e: {  	[tilespmem:v11+s21+$0x0] =	vst.idx.msk $0xffff, v8;
	v8 =	vmov s30  }
0x6f: {  	v13 =	vld.idx.msk [tilespmem:v9+s21+$0x0], $0xffff;
	v8 =	vmul.u32 $0x70, v8;
	_ =	sdelay $0x1  }
0x70: {  	s31 =	sadd.s32 $0x1, s26;
	v8 =	vbroadcast v8, $0x0  }
0x71: {  	v11 =	vmov s31  }
0x72: {  	v10 =	vor.u32 v0, v8  }
0x73: {  	s30 =	simm.s32 $0x2;
	v12 =	vmul.f32 v13, v12  }
.LBB2_5:
0x74: {  	_ = 	snop  }
0x75: {  	p1 =	sne.s32 s30, $0x7F;
	s31 =	smov.u32 s30;
	s30 =	sadd.s32 $0x1, s30;
	[tilespmem:v9+s21+$0x0] =	vst.idx.msk $0xffff, v12  }
0x76: {  	v12 =	vld.idx.msk [tilespmem:v11+s18+$0x0], $0xffff  }
0x77: {  	v9 =	vld.idx.msk [tilespmem:v10+s21+$0x0], $0xffff;
	_ =	sdelay $0x3  }
0x78: {  	v11 =	vadd.s32 v2, v8;
	_ =	sdelay $0x1  }
0x79: {  	v9 =	vmul.f32 v9, v12;
	_ =	sdelay $0x1  }
0x7a: {  	[tilespmem:v10+s21+$0x0] =	vst.idx.msk $0xffff, v9  }
0x7b: {  	v9 =	vld.idx.msk [tilespmem:v11+s21+$0x0], $0xffff;
	_ =	sdelay $0x3  }
0x7c: {  	v10 =	vadd.s32 v3, v8;
	_ =	sdelay $0x1  }
0x7d: {  	v9 =	vmul.f32 v9, v12;
	_ =	sdelay $0x1  }
0x7e: {  	[tilespmem:v11+s21+$0x0] =	vst.idx.msk $0xffff, v9  }
0x7f: {  	v9 =	vld.idx.msk [tilespmem:v10+s21+$0x0], $0xffff;
	_ =	sdelay $0x3  }
0x80: {  	v11 =	vadd.s32 v4, v8;
	_ =	sdelay $0x1  }
0x81: {  	v9 =	vmul.f32 v9, v12;
	_ =	sdelay $0x1  }
0x82: {  	[tilespmem:v10+s21+$0x0] =	vst.idx.msk $0xffff, v9  }
0x83: {  	v9 =	vld.idx.msk [tilespmem:v11+s21+$0x0], $0xffff;
	_ =	sdelay $0x3  }
0x84: {  	v10 =	vadd.s32 v5, v8;
	_ =	sdelay $0x1  }
0x85: {  	v9 =	vmul.f32 v9, v12;
	_ =	sdelay $0x1  }
0x86: {  	[tilespmem:v11+s21+$0x0] =	vst.idx.msk $0xffff, v9  }
0x87: {  	v9 =	vld.idx.msk [tilespmem:v10+s21+$0x0], $0xffff;
	_ =	sdelay $0x3  }
0x88: {  	v11 =	vadd.s32 v6, v8;
	_ =	sdelay $0x1  }
0x89: {  	v9 =	vmul.f32 v9, v12;
	_ =	sdelay $0x1  }
0x8a: {  	[tilespmem:v10+s21+$0x0] =	vst.idx.msk $0xffff, v9  }
0x8b: {  	v10 =	vld.idx.msk [tilespmem:v11+s21+$0x0], $0xffff;
	_ =	sdelay $0x3  }
0x8c: {  	v9 =	vadd.s32 v7, v8;
	_ =	sdelay $0x1  }
0x8d: {  	v8 =	vmul.f32 v10, v12;
	_ =	sdelay $0x1  }
0x8e: {  	[tilespmem:v11+s21+$0x0] =	vst.idx.msk $0xffff, v8  }
0x8f: {  	v8 =	vmov s31;
	v13 =	vld.idx.msk [tilespmem:v9+s21+$0x0], $0xffff  }
0x90: {  	v8 =	vmul.u32 $0x70, v8  }
.Ltmp1:
0x91: {  	(pc) =	sbr.rel @p1 .LBB2_5-.Ltmp1, $4  }
0x92: {  	s31 =	sadd.s32 s31, s26;
	v8 =	vbroadcast v8, $0x0  }
0x93: {  	v11 =	vmov s31  }
0x94: {  	v10 =	vor.u32 v0, v8  }
0x95: {  	v12 =	vmul.f32 v13, v12  }
0x96: {  	_ =	sdelay $0x3  }
0x97: {  	[tilespmem:v9+s21+$0x0] =	vst.idx.msk $0xffff, v12  }
0x98: {  	v9 =	vld.idx.msk [tilespmem:v11+s18+$0x0], $0xffff  }
0x99: {  	v58 =	vld.idx.msk [tilespmem:v10+s21+$0x0], $0xffff;
	_ =	sdelay $0x2  }
0x9a: {  	v59 =	vadd.s32 v2, v8;
	_ =	sdelay $0x1  }
0x9b: {  	v11 =	vmul.f32 v58, v9;
	_ =	sdelay $0x1  }
0x9c: {  	[tilespmem:v10+s21+$0x0] =	vst.idx.msk $0xffff, v11  }
0x9d: {  	v10 =	vld.idx.msk [tilespmem:v59+s21+$0x0], $0xffff;
	_ =	sdelay $0x2  }
0x9e: {  	v60 =	vadd.s32 v3, v8;
	_ =	sdelay $0x1  }
0x9f: {  	v10 =	vmul.f32 v10, v9;
	_ =	sdelay $0x1  }
0xa0: {  	[tilespmem:v59+s21+$0x0] =	vst.idx.msk $0xffff, v10  }
0xa1: {  	v10 =	vld.idx.msk [tilespmem:v60+s21+$0x0], $0xffff;
	_ =	sdelay $0x2  }
0xa2: {  	v61 =	vadd.s32 v4, v8;
	_ =	sdelay $0x1  }
0xa3: {  	v10 =	vmul.f32 v10, v9;
	_ =	sdelay $0x1  }
0xa4: {  	[tilespmem:v60+s21+$0x0] =	vst.idx.msk $0xffff, v10  }
0xa5: {  	v10 =	vld.idx.msk [tilespmem:v61+s21+$0x0], $0xffff;
	_ =	sdelay $0x2  }
0xa6: {  	v62 =	vadd.s32 v5, v8;
	_ =	sdelay $0x1  }
0xa7: {  	v10 =	vmul.f32 v10, v9;
	_ =	sdelay $0x1  }
0xa8: {  	[tilespmem:v61+s21+$0x0] =	vst.idx.msk $0xffff, v10  }
0xa9: {  	v10 =	vld.idx.msk [tilespmem:v62+s21+$0x0], $0xffff;
	_ =	sdelay $0x2  }
0xaa: {  	v63 =	vadd.s32 v6, v8;
	_ =	sdelay $0x1  }
0xab: {  	v10 =	vmul.f32 v10, v9;
	_ =	sdelay $0x1  }
0xac: {  	[tilespmem:v62+s21+$0x0] =	vst.idx.msk $0xffff, v10  }
0xad: {  	v10 =	vld.idx.msk [tilespmem:v63+s21+$0x0], $0xffff;
	_ =	sdelay $0x2  }
0xae: {  	v8 =	vadd.s32 v7, v8;
	_ =	sdelay $0x1  }
0xaf: {  	v10 =	vmul.f32 v10, v9;
	_ =	sdelay $0x1  }
0xb0: {  	[tilespmem:v63+s21+$0x0] =	vst.idx.msk $0xffff, v10  }
0xb1: {  	v10 =	vld.idx.msk [tilespmem:v8+s21+$0x0], $0xffff;
	_ =	sdelay $0x4  }
0xb2: {  	s28 =	sadd.s32 $0x1, s28;
	v9 =	vmul.f32 v10, v9  }
0xb3: {  	p1 =	sne.s32 s28, $0x50  }
.Ltmp2:
0xb4: {  	s29 =	sadd.s32 $0x2800, s29;
	[tilespmem:v8+s21+$0x0] =	vst.idx.msk $0xffff, v9;
	(pc) =	sbr.rel @p1 .LBB2_4-.Ltmp2, $4  }
0xb5: {  	[spmem:s3] =	stream.indirect.scatter.add.f32 [tilespmem:s21], [sflag:$0x2], $0x70, s29, s20, $0xb8;
	[tilespmem:$0x1F970] =	vst v63  }
0xb6: {  	_ =	swait.ge [sflag:s16], $0x3800  }
0xb7: {  	[sflag:s16] =	ssyncset.done $0x0  }
0xb8: {  	s26 =	sadd.s32 $0x80, s26;
	[sflag:s16] =	ssyncadd.s32 $0xFFFFC800  }
0xb9: {  	s25 =	sshll.u32 s2, $0x6  }
0xba: {  	[bflag:$0x0] =	sbarrier.arrive $0xFFFF;
	s26 =	sshrl.u32 s8, $0x3;
	s25 =	sor.u32 $0x1C02, s25  }
0xbb: {  	[hbm:s23], [sflag:s25] =	dma.local [spmem:s26], $0x2220  }
0xbc: {  	_ =	swait.ge [sflag:s16], $0x2220  }
0xbd: {  	s28 =	sshrl.u32 @!p0 s13, $0x3;
	s24 =	sadd.s32 $0x1, s24;
	[sflag:s16] =	ssyncset.done $0x0  }
0xbe: {  	p1 =	sne.s32 s24, s15;
	s26 =	sadd.s32 @!p0 $0x22200, s14;
	[sflag:s16] =	ssyncadd.s32 $0xFFFFDDE0  }
0xbf: {  	[hbm:s26], [sflag:s25] =	dma.local @!p0 [spmem:s28], $0xE0  }
.Ltmp3:
0xc0: {  	_ = 	snop;
	(pc) =	sbr.rel @p1 .LBB2_1-.Ltmp3, $4  }
0xc1: {  	s25 =	simm.s32 @!p0 $0x2  }
0xc2: {  	_ =	swait.ge @!p0 [sflag:s25], $0xE0  }
0xc3: {  	[sflag:s25] =	ssyncset.done @!p0 $0x0  }
0xc4: {  	[sflag:s25] =	ssyncadd.s32 @!p0 $0xFFFFFF20  }
0xc5: {  	_ =	sfence.sel $0x180000  }
0xc6: {  	[bflag:$0x0] =	sbarrier.arrive $0xFFFF  }
0xc7: {  	p0 =	sne.s32 s2, $0x0;
	_ =	strace $0x90000047  }
0xc8: {  	s0 =	sadd.s32 @!p0 $0x100000, s1;
	[bflag:$0x2] =	sbarrier.arrive $0xFFFF  }
0xc9: {  	[sflag:s0] =	ssyncadd.tile.s32 @!p0 $0x1;
	_ =	shalt  }
.Lfunc_end2:
_tile_overlayer_lowered:
.L_overlay_start_2:
0xca: {  	(tag) =	ssettag $0x2  }
0xcb: {  	s0 =	rddreg [dreg:$0x0];
	s2 =	stileid.u32  }
0xcc: {  	s1 =	rddreg [dreg:$0x1];
	p0 =	sne.s32 s2, $0x0  }
0xcd: {  	s3 =	rddreg [dreg:$0x2];
	[bflag:$0x3] =	sbarrier.arrive $0xFFFF;
	s2 =	simm.s32 @!p0 $0x1C02  }
0xce: {  	[timem:s3], [sflag:s2] =	dma.local @!p0 [hbm:s0], s1  }
0xcf: {  	s0 =	simm.s32 @!p0 $0x2  }
0xd0: {  	_ =	swait.ge @!p0 [sflag:s0], s1  }
0xd1: {  	s1 =	ssub.s32 @!p0 $0x0, s1;
	[sflag:s0] =	ssyncset.done @!p0 $0x0  }
0xd2: {  	[sflag:s0] =	ssyncadd.s32 @!p0 s1  }
0xd3: {  	[bflag:$0x3] =	sbarrier.arrive $0xFFFF  }
0xd4: {  	_ =	shalt  }

</sc_bundles>
